<compile_context>
chip_gen: v7x
topology: tpu7x:2x2x1
jax: 0.10.2.dev20260603
libtpu: 0.0.44.dev20260713+nightly
codegen_flags: <defaults>
</compile_context>

<pallas_src>
import functools

import jax
import jax.numpy as jnp
from jax import lax
from jax.experimental import pallas as pl
from jax.experimental.pallas import tpu as pltpu
from jax.experimental.pallas import tpu_sc as plsc

_N = 50000
_E = 800000

_NTILES = 16
_CHUNK = 512
_JROWS = 4
_EPT = 51200
_EPAD = _EPT * _NTILES
_NITER = _EPT // _CHUNK
_ACC_ROWS = 50176
_ZROWS = 3136
_COPY_N = 50048
_CROWS = _COPY_N // _NTILES
_GARBAGE = 50100


def _seg_body(x_hbm, c2_hbm, src2d, dst2d, sx_out, sc_out,
              idx_s, idx_d, rows, zbuf, acc, sem_g, sem_s):
    cid = lax.axis_index("c")
    sid = lax.axis_index("s")

    zv = jnp.zeros((16,), jnp.float32)

    def zero_row(i, _):
        zbuf[i, pl.ds(0, 16)] = zv
        zbuf[i, pl.ds(16, 16)] = zv
        return 0

    lax.fori_loop(0, 64, zero_row, 0)
    zbase = sid * _ZROWS

    def zero_acc(k, _):
        pltpu.sync_copy(zbuf, acc.at[pl.ds(zbase + 64 * k, 64)])
        return 0

    lax.fori_loop(0, _ZROWS // 64, zero_acc, 0)
    plsc.subcore_barrier()

    def step(i, _):
        row0 = sid * (_EPT // 128) + i * _JROWS
        pltpu.sync_copy(src2d.at[pl.ds(row0, _JROWS)], idx_s)
        pltpu.sync_copy(dst2d.at[pl.ds(row0, _JROWS)], idx_d)

        @pl.when(cid == 0)
        def _():
            cps = [pltpu.async_copy(x_hbm.at[idx_s.at[j]], rows.at[j], sem_g)
                   for j in range(_JROWS)]
            for cp in cps:
                cp.wait()

        @pl.when(cid == 1)
        def _():
            cps = [pltpu.async_copy(c2_hbm.at[idx_s.at[j]], rows.at[j], sem_g)
                   for j in range(_JROWS)]
            for cp in cps:
                cp.wait()

        cps = [pltpu.async_copy(rows.at[j], acc.at[idx_d.at[j]], sem_s,
                                add=True)
               for j in range(_JROWS)]
        for cp in cps:
            cp.wait()
        return 0

    lax.fori_loop(0, _NITER, step, 0)
    plsc.subcore_barrier()

    r0 = sid * _CROWS

    @pl.when(cid == 0)
    def _():
        pltpu.sync_copy(acc.at[pl.ds(r0, _CROWS)], sx_out.at[pl.ds(r0, _CROWS)])

    @pl.when(cid == 1)
    def _():
        pltpu.sync_copy(acc.at[pl.ds(r0, _CROWS)], sc_out.at[pl.ds(r0, _CROWS)])


_seg_call = pl.kernel(
    _seg_body,
    out_type=(jax.ShapeDtypeStruct((_COPY_N, 32), jnp.float32),
              jax.ShapeDtypeStruct((_COPY_N, 32), jnp.float32)),
    mesh=plsc.VectorSubcoreMesh(core_axis_name="c", subcore_axis_name="s"),
    scratch_types=[
        pltpu.VMEM((_JROWS, 128), jnp.int32),
        pltpu.VMEM((_JROWS, 128), jnp.int32),
        pltpu.VMEM((_JROWS, 128, 32), jnp.float32),
        pltpu.VMEM((64, 32), jnp.float32),
        pltpu.VMEM_SHARED((_ACC_ROWS, 32), jnp.float32),
        pltpu.SemaphoreType.DMA,
        pltpu.SemaphoreType.DMA,
    ],
    compiler_params=pltpu.CompilerParams(use_tc_tiling_on_sc=False),
)


_R = 1000
_G = _N // _R


def _p1_body(x_b, c2_b, sx_b, sc_b, a_b, W1x_b, W1c_b, W3x_b, W3c_b,
             b1_b, b3_b, zz0_b, zz1_b, h2a_b, sums_b):
    a1 = a_b[0, 0]
    a2 = a_b[0, 1]
    x = x_b[...]
    sx = sx_b[...]
    c0 = c2_b[:, :16]
    c1 = c2_b[:, 16:]
    s0 = sc_b[:, :16]
    s1 = sc_b[:, 16:]
    xs1 = (a1 * x + sx) @ W1x_b[...]
    zz0 = xs1 + (a1 * c0 + s0) @ W1c_b[...] + b1_b[...]
    zz1 = xs1 + (a1 * c1 + s1) @ W1c_b[...] + b1_b[...]
    h2a = ((a2 * x + sx) @ W3x_b[...]
           + (a2 * (c0 + c1) + (s0 + s1)) @ (0.5 * W3c_b[...])
           + b3_b[...])
    zz0_b[...] = zz0
    zz1_b[...] = zz1
    h2a_b[...] = h2a
    r0 = jnp.sum(zz0, axis=0) + jnp.sum(zz1, axis=0)
    r1 = jnp.sum(zz0 * zz0, axis=0) + jnp.sum(zz1 * zz1, axis=0)
    r2 = jnp.sum(h2a, axis=0)
    r3 = jnp.sum(h2a * h2a, axis=0)
    z = jnp.zeros_like(r0)
    part = jnp.stack([r0, r1, r2, r3, z, z, z, z])

    @pl.when(pl.program_id(0) == 0)
    def _():
        sums_b[...] = jnp.zeros_like(sums_b)

    sums_b[...] += part


def _p2_body(zz0_b, zz1_b, h2a_b, sums_b, W2_b, W4_b, b2_b, b4_b,
             g1_b, be1_b, g2_b, be2_b, out_b):
    sums = sums_b[...]
    m1 = sums[0] * (1.0 / (2 * _N))
    v1 = sums[1] * (1.0 / (2 * _N)) - m1 * m1
    k1 = g1_b[0] * lax.rsqrt(v1 + 1e-5)
    m2 = sums[2] * (1.0 / _N)
    v2 = sums[3] * (1.0 / _N) - m2 * m2
    k2 = g2_b[0] * lax.rsqrt(v2 + 1e-5)
    n0 = jnp.maximum((zz0_b[...] - m1) * k1 + be1_b[...], 0.0) @ W2_b[...] + b2_b[...]
    n1 = jnp.maximum((zz1_b[...] - m1) * k1 + be1_b[...], 0.0) @ W2_b[...] + b2_b[...]
    h2 = jnp.maximum((h2a_b[...] - m2) * k2 + be2_b[...], 0.0) @ W4_b[...] + b4_b[...]
    out_b[...] = jnp.concatenate([n0 + h2, n1 + h2], axis=1)


def _row_blk(w):
    return pl.BlockSpec((_R, w), lambda i: (i, 0))


def _full(shape):
    return pl.BlockSpec(shape, lambda i: tuple(0 for _ in shape))


_p1_call = pl.pallas_call(
    _p1_body,
    grid=(_G,),
    in_specs=[
        _row_blk(32), _row_blk(32), _row_blk(32), _row_blk(32),
        _full((1, 2)),
        _full((32, 64)), _full((16, 64)), _full((32, 64)), _full((16, 64)),
        _full((1, 64)), _full((1, 64)),
    ],
    out_specs=[_row_blk(64), _row_blk(64), _row_blk(64), _full((8, 64))],
    out_shape=[
        jax.ShapeDtypeStruct((_N, 64), jnp.float32),
        jax.ShapeDtypeStruct((_N, 64), jnp.float32),
        jax.ShapeDtypeStruct((_N, 64), jnp.float32),
        jax.ShapeDtypeStruct((8, 64), jnp.float32),
    ],
)

_p2_call = pl.pallas_call(
    _p2_body,
    grid=(_G,),
    in_specs=[
        _row_blk(64), _row_blk(64), _row_blk(64),
        _full((8, 64)),
        _full((64, 64)), _full((64, 64)),
        _full((1, 64)), _full((1, 64)),
        _full((1, 64)), _full((1, 64)), _full((1, 64)), _full((1, 64)),
    ],
    out_specs=_row_blk(128),
    out_shape=jax.ShapeDtypeStruct((_N, 128), jnp.float32),
)


def kernel(x, edge_index, c, W1, b1, g1, be1, W2, b2, eps1, W3, b3, g2, be2, W4, b4, eps2):
    src = edge_index[0]
    dst = edge_index[1]
    pad = _EPAD - _E
    src_p = jnp.concatenate([src, jnp.zeros((pad,), jnp.int32)])
    dst_p = jnp.concatenate([dst, jnp.full((pad,), _GARBAGE, jnp.int32)])
    src2d = src_p.reshape(_EPAD // 128, 128)
    dst2d = dst_p.reshape(_EPAD // 128, 128)
    c2 = c.reshape(_N, 32)

    sx, sc = _seg_call(x, c2, src2d, dst2d)
    sx = sx[:_N]
    sc = sc[:_N]

    a = jnp.stack([1.0 + eps1, 1.0 + eps2]).reshape(1, 2)
    zz0, zz1, h2a, sums = _p1_call(
        x, c2, sx, sc, a,
        W1[:32], W1[32:], W3[:32], W3[32:],
        b1.reshape(1, 64), b3.reshape(1, 64))
    out = _p2_call(
        zz0, zz1, h2a, sums,
        W2, W4, b2.reshape(1, 64), b4.reshape(1, 64),
        g1.reshape(1, 64), be1.reshape(1, 64),
        g2.reshape(1, 64), be2.reshape(1, 64))
    return out

# --- scband reference (transcript-rebuilt; emitter-appended) ---
"""Pipeline reference for scband-colour-cat-dssginconv-41094247088190 (READ-ONLY COPY).

The authoritative reference and input builder live on the scoring server;
editing this copy changes nothing except your own understanding.
"""

import jax, jax.numpy as jnp
import numpy as np

N = 50000
E = 800000
IN_DIM = 32
COLOUR_DIM = 16
S = 2
EMB = 64
CAT = IN_DIM + COLOUR_DIM


def _batchnorm(h, gamma, beta):
    m = jnp.mean(h, axis=0)
    v = jnp.var(h, axis=0)
    return gamma * (h - m) / jnp.sqrt(v + 1e-5) + beta


def setup_inputs(seed: int = 0):
    key = jax.random.key(seed)
    ks = jax.random.split(key, 8)
    x = jax.random.normal(ks[0], (N, IN_DIM), dtype=jnp.float32)
    edge_index = jax.random.randint(ks[1], (2, E), 0, N, dtype=jnp.int32)
    c = jax.random.normal(ks[2], (N, S, COLOUR_DIM), dtype=jnp.float32)
    W1 = jax.random.normal(ks[3], (CAT, EMB), dtype=jnp.float32) / np.sqrt(CAT)
    b1 = jnp.zeros((EMB,), jnp.float32)
    g1 = jnp.ones((EMB,), jnp.float32)
    be1 = jnp.zeros((EMB,), jnp.float32)
    W2 = jax.random.normal(ks[4], (EMB, EMB), dtype=jnp.float32) / np.sqrt(EMB)
    b2 = jnp.zeros((EMB,), jnp.float32)
    eps1 = jnp.zeros((), jnp.float32)
    W3 = jax.random.normal(ks[5], (CAT, EMB), dtype=jnp.float32) / np.sqrt(CAT)
    b3 = jnp.zeros((EMB,), jnp.float32)
    g2 = jnp.ones((EMB,), jnp.float32)
    be2 = jnp.zeros((EMB,), jnp.float32)
    W4 = jax.random.normal(ks[6], (EMB, EMB), dtype=jnp.float32) / np.sqrt(EMB)
    b4 = jnp.zeros((EMB,), jnp.float32)
    eps2 = jnp.zeros((), jnp.float32)
    return {"x": x, "edge_index": edge_index, "c": c,
            "W1": W1, "b1": b1, "g1": g1, "be1": be1, "W2": W2, "b2": b2, "eps1": eps1,
            "W3": W3, "b3": b3, "g2": g2, "be2": be2, "W4": W4, "b4": b4, "eps2": eps2}


def reference(x, edge_index, c, W1, b1, g1, be1, W2, b2, eps1, W3, b3, g2, be2, W4, b4, eps2):
    src = edge_index[0]
    dst = edge_index[1]
    # ColourCatter: broadcast features across colouring samples and concat colours
    h_cat = jnp.concatenate([jnp.broadcast_to(x[:, None, :], (N, S, IN_DIM)), c], axis=-1)  # [N, S, CAT]
    h_shared = h_cat.reshape(N, S * CAT)  # out_reshape=True: samples stacked into feature dim
    agg_in = jnp.mean(h_cat, axis=1)      # aggregation='mean' over samples -> [N, CAT]
    # shared GIN conv: (1+eps)*h + sum-aggregate of neighbour messages (gather + scatter-add)
    z = (1.0 + eps1) * h_shared + jax.ops.segment_sum(h_shared[src], dst, num_segments=N)
    # SharedMLP: same weights applied per sample (reshape [N, S*CAT] -> [N*S, CAT])
    zz = z.reshape(N * S, CAT)
    zz = zz @ W1 + b1
    zz = _batchnorm(zz, g1, be1)
    zz = jax.nn.relu(zz)
    zz = zz @ W2 + b2
    siamese = zz.reshape(N, S, EMB)  # mid_resh (out=False)
    # plain GIN conv on sample-aggregated input
    z2 = (1.0 + eps2) * agg_in + jax.ops.segment_sum(agg_in[src], dst, num_segments=N)
    h2 = z2 @ W3 + b3
    h2 = _batchnorm(h2, g2, be2)
    h2 = jax.nn.relu(h2)
    h2 = h2 @ W4 + b4
    fedback = siamese + h2[:, None, :]
    return fedback.reshape(N, S * EMB)  # out_resh (out=True)

if __name__ == "__main__":
    import jax
    _d = setup_inputs()
    print(jax.jit(kernel)(*tuple(_d.values())))

</pallas_src>

<mosaic_0001>
#map = affine_map<(d0, d1) -> (0, 0)>
module attributes {stable_mosaic.version = 14 : i64} {
  func.func @_seg_body(%arg0: i32, %arg1: i32, %arg2: memref<50000x32xf32, #tpu.memory_space<hbm>>, %arg3: memref<50000x32xf32, #tpu.memory_space<hbm>>, %arg4: memref<6400x128xi32, #tpu.memory_space<hbm>>, %arg5: memref<6400x128xi32, #tpu.memory_space<hbm>>, %arg6: memref<50048x32xf32, #tpu.memory_space<hbm>>, %arg7: memref<50048x32xf32, #tpu.memory_space<hbm>>, %arg8: memref<4x128xi32, #tpu.memory_space<vmem>>, %arg9: memref<4x128xi32, #tpu.memory_space<vmem>>, %arg10: memref<4x128x32xf32, #tpu.memory_space<vmem>>, %arg11: memref<64x32xf32, #tpu.memory_space<vmem>>, %arg12: memref<50176x32xf32, #tpu.memory_space<vmem_shared>>, %arg13: memref<!tpu.dma_semaphore, #tpu.memory_space<semaphore_mem>>, %arg14: memref<!tpu.dma_semaphore, #tpu.memory_space<semaphore_mem>>) attributes {dimension_semantics = [#tpu.dimension_semantics<core_parallel>, #tpu.dimension_semantics<subcore_parallel>], iteration_bounds = array<i64: 2, 16>, scalar_prefetch = 0 : i64, scratch_operands = 7 : i64, tpu.core_type = #tpu.core_type<sc_vector_subcore>, window_params = [{transform_indices = #map}, {transform_indices = #map}, {transform_indices = #map}, {transform_indices = #map}, {transform_indices = #map}, {transform_indices = #map}]} {
    %broadcast_in_dim3A = arith.constant 0.000000e+00 : f32
    %broadcast_in_dim3A_0 = vector.broadcast %broadcast_in_dim3A : f32 to vector<16xf32>
    %scan3A = arith.constant 0 : i32
    %scan3A_1 = arith.constant 0 : i32
    %scan3A_2 = arith.constant 64 : i32
    %scan3A_3 = arith.addi %scan3A_1, %scan3A_2 : i32
    %scan3A_4 = arith.constant 1 : i32
    %scan3A_5 = scf.for %scan3A_32 = %scan3A_1 to %scan3A_3 step %scan3A_4 iter_args(%scan3A_33 = %scan3A) -> (i32)  : i32 {
      %swap3A = arith.index_cast %scan3A_32 : i32 to index
      %swap3A_34 = arith.constant 0 : index
      %swap3A_35 = tpu.vector_load %arg11[%swap3A, %swap3A_34] {strides = array<i32>} : memref<64x32xf32, #tpu.memory_space<vmem>>, vector<1x16xf32>,
      %swap3A_36 = vector.shape_cast %swap3A_35 : vector<1x16xf32> to vector<16xf32>
      %swap3A_37 = vector.shape_cast %broadcast_in_dim3A_0 : vector<16xf32> to vector<1x16xf32>
      tpu.vector_store %arg11[%swap3A, %swap3A_34], %swap3A_37 {strides = array<i32>} : memref<64x32xf32, #tpu.memory_space<vmem>>, vector<1x16xf32>,
      %swap3A_38 = arith.index_cast %scan3A_32 : i32 to index
      %swap3A_39 = arith.constant 16 : index
      %swap3A_40 = tpu.vector_load %arg11[%swap3A_38, %swap3A_39] {strides = array<i32>} : memref<64x32xf32, #tpu.memory_space<vmem>>, vector<1x16xf32>,
      %swap3A_41 = vector.shape_cast %swap3A_40 : vector<1x16xf32> to vector<16xf32>
      %swap3A_42 = vector.shape_cast %broadcast_in_dim3A_0 : vector<16xf32> to vector<1x16xf32>
      tpu.vector_store %arg11[%swap3A_38, %swap3A_39], %swap3A_42 {strides = array<i32>} : memref<64x32xf32, #tpu.memory_space<vmem>>, vector<1x16xf32>,
      %scan3A_43 = arith.constant 0 : i32
      scf.yield %scan3A_43 : i32
    }
    %scan3A_6 = arith.constant 64 : i32
    %mul3A = arith.constant 3136 : i32
    %mul3A_7 = arith.muli %arg1, %mul3A : i32
    %scan3A_8 = arith.constant 0 : i32
    %scan3A_9 = arith.constant 0 : i32
    %scan3A_10 = arith.constant 49 : i32
    %scan3A_11 = arith.addi %scan3A_9, %scan3A_10 : i32
    %scan3A_12 = arith.constant 1 : i32
    %scan3A_13 = scf.for %scan3A_32 = %scan3A_9 to %scan3A_11 step %scan3A_12 iter_args(%scan3A_33 = %scan3A_8) -> (i32)  : i32 {
      %mul3A_34 = arith.constant 64 : i32
      %mul3A_35 = arith.muli %mul3A_34, %scan3A_32 : i32
      %add3A = arith.addi %mul3A_7, %mul3A_35 : i32
      "tpu.region"() ({
        %run_scoped3A = tpu.sem_alloc : memref<!tpu.dma_semaphore, #tpu.memory_space<semaphore_mem>>
        %dma_start3A = arith.constant 0 : i32
        %dma_start3A_37 = tpu.memref_slice %arg12[%add3A, %dma_start3A] : memref<50176x32xf32, #tpu.memory_space<vmem_shared>> -> memref<64x32xf32, #tpu.memory_space<vmem_shared>>
        %dma_start3A_38 = arith.constant 0 : i32
        %dma_start3A_39 = tpu.memref_slice %arg12[%add3A, %dma_start3A_38] : memref<50176x32xf32, #tpu.memory_space<vmem_shared>> -> memref<64x32xf32, #tpu.memory_space<vmem_shared>>
        tpu.enqueue_dma source(%arg11 : memref<64x32xf32, #tpu.memory_space<vmem>>) target(%dma_start3A_39 : memref<64x32xf32, #tpu.memory_space<vmem_shared>>) target_semaphore(%run_scoped3A : memref<!tpu.dma_semaphore, #tpu.memory_space<semaphore_mem>>)
        %dma_wait3A = arith.constant 0 : i32
        %dma_wait3A_40 = tpu.memref_slice %arg12[%add3A, %dma_wait3A] : memref<50176x32xf32, #tpu.memory_space<vmem_shared>> -> memref<64x32xf32, #tpu.memory_space<vmem_shared>>
        %dma_wait3A_41 = arith.constant 0 : i32
        %dma_wait3A_42 = tpu.memref_slice %arg12[%add3A, %dma_wait3A_41] : memref<50176x32xf32, #tpu.memory_space<vmem_shared>> -> memref<64x32xf32, #tpu.memory_space<vmem_shared>>
        tpu.wait_dma2 semaphore(%run_scoped3A : memref<!tpu.dma_semaphore, #tpu.memory_space<semaphore_mem>>) src(%arg11 : memref<64x32xf32, #tpu.memory_space<vmem>>) dst(%dma_wait3A_42 : memref<64x32xf32, #tpu.memory_space<vmem_shared>>)
        tpu.yield
      }) : () -> ()
      %scan3A_36 = arith.constant 0 : i32
      scf.yield %scan3A_36 : i32
    }
    %scan3A_14 = arith.constant 49 : i32
    %barrier3A = arith.constant 0 : index
    tpu.barrier barrier_id(%barrier3A)
    %scan3A_15 = arith.constant 0 : i32
    %scan3A_16 = arith.constant 0 : i32
    %scan3A_17 = arith.constant 100 : i32
    %scan3A_18 = arith.addi %scan3A_16, %scan3A_17 : i32
    %scan3A_19 = arith.constant 1 : i32
    %scan3A_20 = scf.for %scan3A_32 = %scan3A_16 to %scan3A_18 step %scan3A_19 iter_args(%scan3A_33 = %scan3A_15) -> (i32)  : i32 {
      %mul3A_34 = arith.constant 400 : i32
      %mul3A_35 = arith.muli %arg1, %mul3A_34 : i32
      %mul3A_36 = arith.constant 4 : i32
      %mul3A_37 = arith.muli %scan3A_32, %mul3A_36 : i32
      %add3A = arith.addi %mul3A_35, %mul3A_37 : i32
      "tpu.region"() ({
        %run_scoped3A = tpu.sem_alloc : memref<!tpu.dma_semaphore, #tpu.memory_space<semaphore_mem>>
        %dma_start3A_143 = arith.constant 0 : i32
        %dma_start3A_144 = tpu.memref_slice %arg4[%add3A, %dma_start3A_143] : memref<6400x128xi32, #tpu.memory_space<hbm>> -> memref<4x128xi32, #tpu.memory_space<hbm>>
        %dma_start3A_145 = arith.constant 0 : i32
        %dma_start3A_146 = tpu.memref_slice %arg4[%add3A, %dma_start3A_145] : memref<6400x128xi32, #tpu.memory_space<hbm>> -> memref<4x128xi32, #tpu.memory_space<hbm>>
        tpu.enqueue_dma source(%dma_start3A_146 : memref<4x128xi32, #tpu.memory_space<hbm>>) target(%arg8 : memref<4x128xi32, #tpu.memory_space<vmem>>) target_semaphore(%run_scoped3A : memref<!tpu.dma_semaphore, #tpu.memory_space<semaphore_mem>>)
        %dma_wait3A_147 = arith.constant 0 : i32
        %dma_wait3A_148 = tpu.memref_slice %arg4[%add3A, %dma_wait3A_147] : memref<6400x128xi32, #tpu.memory_space<hbm>> -> memref<4x128xi32, #tpu.memory_space<hbm>>
        %dma_wait3A_149 = arith.constant 0 : i32
        %dma_wait3A_150 = tpu.memref_slice %arg4[%add3A, %dma_wait3A_149] : memref<6400x128xi32, #tpu.memory_space<hbm>> -> memref<4x128xi32, #tpu.memory_space<hbm>>
        tpu.wait_dma2 semaphore(%run_scoped3A : memref<!tpu.dma_semaphore, #tpu.memory_space<semaphore_mem>>) src(%dma_wait3A_150 : memref<4x128xi32, #tpu.memory_space<hbm>>) dst(%arg8 : memref<4x128xi32, #tpu.memory_space<vmem>>)
        tpu.yield
      }) : () -> ()
      "tpu.region"() ({
        %run_scoped3A = tpu.sem_alloc : memref<!tpu.dma_semaphore, #tpu.memory_space<semaphore_mem>>
        %dma_start3A_143 = arith.constant 0 : i32
        %dma_start3A_144 = tpu.memref_slice %arg5[%add3A, %dma_start3A_143] : memref<6400x128xi32, #tpu.memory_space<hbm>> -> memref<4x128xi32, #tpu.memory_space<hbm>>
        %dma_start3A_145 = arith.constant 0 : i32
        %dma_start3A_146 = tpu.memref_slice %arg5[%add3A, %dma_start3A_145] : memref<6400x128xi32, #tpu.memory_space<hbm>> -> memref<4x128xi32, #tpu.memory_space<hbm>>
        tpu.enqueue_dma source(%dma_start3A_146 : memref<4x128xi32, #tpu.memory_space<hbm>>) target(%arg9 : memref<4x128xi32, #tpu.memory_space<vmem>>) target_semaphore(%run_scoped3A : memref<!tpu.dma_semaphore, #tpu.memory_space<semaphore_mem>>)
        %dma_wait3A_147 = arith.constant 0 : i32
        %dma_wait3A_148 = tpu.memref_slice %arg5[%add3A, %dma_wait3A_147] : memref<6400x128xi32, #tpu.memory_space<hbm>> -> memref<4x128xi32, #tpu.memory_space<hbm>>
        %dma_wait3A_149 = arith.constant 0 : i32
        %dma_wait3A_150 = tpu.memref_slice %arg5[%add3A, %dma_wait3A_149] : memref<6400x128xi32, #tpu.memory_space<hbm>> -> memref<4x128xi32, #tpu.memory_space<hbm>>
        tpu.wait_dma2 semaphore(%run_scoped3A : memref<!tpu.dma_semaphore, #tpu.memory_space<semaphore_mem>>) src(%dma_wait3A_150 : memref<4x128xi32, #tpu.memory_space<hbm>>) dst(%arg9 : memref<4x128xi32, #tpu.memory_space<vmem>>)
        tpu.yield
      }) : () -> ()
      %eq3A_38 = arith.constant 0 : i32
      %eq3A_39 = arith.cmpi eq, %arg0, %eq3A_38 : i32
      %convert_element_type3A_40 = arith.extui %eq3A_39 : i1 to i32
      %cond3A_41 = arith.constant 0 : i32
      %cond3A_42 = arith.cmpi ne, %convert_element_type3A_40, %cond3A_41 : i32
      scf.if %cond3A_42 {
        %dma_start3A_143 = arith.constant 0 : i32
        %dma_start3A_144 = arith.constant 0 : i32
        %dma_start3A_145 = arith.constant 0 : i32
        %dma_start3A_146 = arith.constant 0 : i32
        %dma_start3A_147 = tpu.memref_slice %arg10[%dma_start3A_144, %dma_start3A_145, %dma_start3A_146] : memref<4x128x32xf32, #tpu.memory_space<vmem>> -> memref<1x128x32xf32, #tpu.memory_space<vmem>>
        %dma_start3A_148 = tpu.memref_squeeze %dma_start3A_147 : memref<1x128x32xf32, #tpu.memory_space<vmem>> -> memref<128x32xf32, #tpu.memory_space<vmem>>
        %dma_start3A_149 = arith.constant 0 : i32
        %dma_start3A_150 = tpu.memref_slice %arg8[%dma_start3A_143, %dma_start3A_149] : memref<4x128xi32, #tpu.memory_space<vmem>> -> memref<1x128xi32, #tpu.memory_space<vmem>>
        %dma_start3A_151 = tpu.memref_squeeze %dma_start3A_150 : memref<1x128xi32, #tpu.memory_space<vmem>> -> memref<128xi32, #tpu.memory_space<vmem>>
        %dma_start3A_152 = arith.constant 0 : i32
        %dma_start3A_153 = arith.constant 0 : i32
        %dma_start3A_154 = tpu.memref_slice %arg2[%dma_start3A_152, %dma_start3A_153] : memref<50000x32xf32, #tpu.memory_space<hbm>> -> memref<50000x32xf32, #tpu.memory_space<hbm>>
        tpu.enqueue_indirect_dma source(%dma_start3A_154 : memref<50000x32xf32, #tpu.memory_space<hbm>>) target(%dma_start3A_148 : memref<128x32xf32, #tpu.memory_space<vmem>>) offsets(%dma_start3A_151 : memref<128xi32, #tpu.memory_space<vmem>>) semaphore(%arg13 : memref<!tpu.dma_semaphore, #tpu.memory_space<semaphore_mem>>)
        %dma_start3A_155 = arith.constant 1 : i32
        %dma_start3A_156 = arith.constant 1 : i32
        %dma_start3A_157 = arith.constant 0 : i32
        %dma_start3A_158 = arith.constant 0 : i32
        %dma_start3A_159 = tpu.memref_slice %arg10[%dma_start3A_156, %dma_start3A_157, %dma_start3A_158] : memref<4x128x32xf32, #tpu.memory_space<vmem>> -> memref<1x128x32xf32, #tpu.memory_space<vmem>>
        %dma_start3A_160 = tpu.memref_squeeze %dma_start3A_159 : memref<1x128x32xf32, #tpu.memory_space<vmem>> -> memref<128x32xf32, #tpu.memory_space<vmem>>
        %dma_start3A_161 = arith.constant 0 : i32
        %dma_start3A_162 = tpu.memref_slice %arg8[%dma_start3A_155, %dma_start3A_161] : memref<4x128xi32, #tpu.memory_space<vmem>> -> memref<1x128xi32, #tpu.memory_space<vmem>>
        %dma_start3A_163 = tpu.memref_squeeze %dma_start3A_162 : memref<1x128xi32, #tpu.memory_space<vmem>> -> memref<128xi32, #tpu.memory_space<vmem>>
        %dma_start3A_164 = arith.constant 0 : i32
        %dma_start3A_165 = arith.constant 0 : i32
        %dma_start3A_166 = tpu.memref_slice %arg2[%dma_start3A_164, %dma_start3A_165] : memref<50000x32xf32, #tpu.memory_space<hbm>> -> memref<50000x32xf32, #tpu.memory_space<hbm>>
        tpu.enqueue_indirect_dma source(%dma_start3A_166 : memref<50000x32xf32, #tpu.memory_space<hbm>>) target(%dma_start3A_160 : memref<128x32xf32, #tpu.memory_space<vmem>>) offsets(%dma_start3A_163 : memref<128xi32, #tpu.memory_space<vmem>>) semaphore(%arg13 : memref<!tpu.dma_semaphore, #tpu.memory_space<semaphore_mem>>)
        %dma_start3A_167 = arith.constant 2 : i32
        %dma_start3A_168 = arith.constant 2 : i32
        %dma_start3A_169 = arith.constant 0 : i32
        %dma_start3A_170 = arith.constant 0 : i32
        %dma_start3A_171 = tpu.memref_slice %arg10[%dma_start3A_168, %dma_start3A_169, %dma_start3A_170] : memref<4x128x32xf32, #tpu.memory_space<vmem>> -> memref<1x128x32xf32, #tpu.memory_space<vmem>>
        %dma_start3A_172 = tpu.memref_squeeze %dma_start3A_171 : memref<1x128x32xf32, #tpu.memory_space<vmem>> -> memref<128x32xf32, #tpu.memory_space<vmem>>
        %dma_start3A_173 = arith.constant 0 : i32
        %dma_start3A_174 = tpu.memref_slice %arg8[%dma_start3A_167, %dma_start3A_173] : memref<4x128xi32, #tpu.memory_space<vmem>> -> memref<1x128xi32, #tpu.memory_space<vmem>>
        %dma_start3A_175 = tpu.memref_squeeze %dma_start3A_174 : memref<1x128xi32, #tpu.memory_space<vmem>> -> memref<128xi32, #tpu.memory_space<vmem>>
        %dma_start3A_176 = arith.constant 0 : i32
        %dma_start3A_177 = arith.constant 0 : i32
        %dma_start3A_178 = tpu.memref_slice %arg2[%dma_start3A_176, %dma_start3A_177] : memref<50000x32xf32, #tpu.memory_space<hbm>> -> memref<50000x32xf32, #tpu.memory_space<hbm>>
        tpu.enqueue_indirect_dma source(%dma_start3A_178 : memref<50000x32xf32, #tpu.memory_space<hbm>>) target(%dma_start3A_172 : memref<128x32xf32, #tpu.memory_space<vmem>>) offsets(%dma_start3A_175 : memref<128xi32, #tpu.memory_space<vmem>>) semaphore(%arg13 : memref<!tpu.dma_semaphore, #tpu.memory_space<semaphore_mem>>)
        %dma_start3A_179 = arith.constant 3 : i32
        %dma_start3A_180 = arith.constant 3 : i32
        %dma_start3A_181 = arith.constant 0 : i32
        %dma_start3A_182 = arith.constant 0 : i32
        %dma_start3A_183 = tpu.memref_slice %arg10[%dma_start3A_180, %dma_start3A_181, %dma_start3A_182] : memref<4x128x32xf32, #tpu.memory_space<vmem>> -> memref<1x128x32xf32, #tpu.memory_space<vmem>>
        %dma_start3A_184 = tpu.memref_squeeze %dma_start3A_183 : memref<1x128x32xf32, #tpu.memory_space<vmem>> -> memref<128x32xf32, #tpu.memory_space<vmem>>
        %dma_start3A_185 = arith.constant 0 : i32
        %dma_start3A_186 = tpu.memref_slice %arg8[%dma_start3A_179, %dma_start3A_185] : memref<4x128xi32, #tpu.memory_space<vmem>> -> memref<1x128xi32, #tpu.memory_space<vmem>>
        %dma_start3A_187 = tpu.memref_squeeze %dma_start3A_186 : memref<1x128xi32, #tpu.memory_space<vmem>> -> memref<128xi32, #tpu.memory_space<vmem>>
        %dma_start3A_188 = arith.constant 0 : i32
        %dma_start3A_189 = arith.constant 0 : i32
        %dma_start3A_190 = tpu.memref_slice %arg2[%dma_start3A_188, %dma_start3A_189] : memref<50000x32xf32, #tpu.memory_space<hbm>> -> memref<50000x32xf32, #tpu.memory_space<hbm>>
        tpu.enqueue_indirect_dma source(%dma_start3A_190 : memref<50000x32xf32, #tpu.memory_space<hbm>>) target(%dma_start3A_184 : memref<128x32xf32, #tpu.memory_space<vmem>>) offsets(%dma_start3A_187 : memref<128xi32, #tpu.memory_space<vmem>>) semaphore(%arg13 : memref<!tpu.dma_semaphore, #tpu.memory_space<semaphore_mem>>)
        %dma_wait3A_191 = arith.constant 0 : i32
        %dma_wait3A_192 = arith.constant 0 : i32
        %dma_wait3A_193 = arith.constant 0 : i32
        %dma_wait3A_194 = arith.constant 0 : i32
        %dma_wait3A_195 = tpu.memref_slice %arg10[%dma_wait3A_192, %dma_wait3A_193, %dma_wait3A_194] : memref<4x128x32xf32, #tpu.memory_space<vmem>> -> memref<1x128x32xf32, #tpu.memory_space<vmem>>
        %dma_wait3A_196 = tpu.memref_squeeze %dma_wait3A_195 : memref<1x128x32xf32, #tpu.memory_space<vmem>> -> memref<128x32xf32, #tpu.memory_space<vmem>>
        %dma_wait3A_197 = arith.constant 0 : i32
        %dma_wait3A_198 = tpu.memref_slice %arg8[%dma_wait3A_191, %dma_wait3A_197] : memref<4x128xi32, #tpu.memory_space<vmem>> -> memref<1x128xi32, #tpu.memory_space<vmem>>
        %dma_wait3A_199 = tpu.memref_squeeze %dma_wait3A_198 : memref<1x128xi32, #tpu.memory_space<vmem>> -> memref<128xi32, #tpu.memory_space<vmem>>
        %dma_wait3A_200 = arith.constant 0 : i32
        %dma_wait3A_201 = arith.constant 0 : i32
        %dma_wait3A_202 = tpu.memref_slice %arg2[%dma_wait3A_200, %dma_wait3A_201] : memref<50000x32xf32, #tpu.memory_space<hbm>> -> memref<50000x32xf32, #tpu.memory_space<hbm>>
        tpu.wait_indirect_dma semaphore(%arg13 : memref<!tpu.dma_semaphore, #tpu.memory_space<semaphore_mem>>) src(%dma_wait3A_202 : memref<50000x32xf32, #tpu.memory_space<hbm>>) dst(%dma_wait3A_196 : memref<128x32xf32, #tpu.memory_space<vmem>>)
        %dma_wait3A_203 = arith.constant 1 : i32
        %dma_wait3A_204 = arith.constant 1 : i32
        %dma_wait3A_205 = arith.constant 0 : i32
        %dma_wait3A_206 = arith.constant 0 : i32
        %dma_wait3A_207 = tpu.memref_slice %arg10[%dma_wait3A_204, %dma_wait3A_205, %dma_wait3A_206] : memref<4x128x32xf32, #tpu.memory_space<vmem>> -> memref<1x128x32xf32, #tpu.memory_space<vmem>>
        %dma_wait3A_208 = tpu.memref_squeeze %dma_wait3A_207 : memref<1x128x32xf32, #tpu.memory_space<vmem>> -> memref<128x32xf32, #tpu.memory_space<vmem>>
        %dma_wait3A_209 = arith.constant 0 : i32
        %dma_wait3A_210 = tpu.memref_slice %arg8[%dma_wait3A_203, %dma_wait3A_209] : memref<4x128xi32, #tpu.memory_space<vmem>> -> memref<1x128xi32, #tpu.memory_space<vmem>>
        %dma_wait3A_211 = tpu.memref_squeeze %dma_wait3A_210 : memref<1x128xi32, #tpu.memory_space<vmem>> -> memref<128xi32, #tpu.memory_space<vmem>>
        %dma_wait3A_212 = arith.constant 0 : i32
        %dma_wait3A_213 = arith.constant 0 : i32
        %dma_wait3A_214 = tpu.memref_slice %arg2[%dma_wait3A_212, %dma_wait3A_213] : memref<50000x32xf32, #tpu.memory_space<hbm>> -> memref<50000x32xf32, #tpu.memory_space<hbm>>
        tpu.wait_indirect_dma semaphore(%arg13 : memref<!tpu.dma_semaphore, #tpu.memory_space<semaphore_mem>>) src(%dma_wait3A_214 : memref<50000x32xf32, #tpu.memory_space<hbm>>) dst(%dma_wait3A_208 : memref<128x32xf32, #tpu.memory_space<vmem>>)
        %dma_wait3A_215 = arith.constant 2 : i32
        %dma_wait3A_216 = arith.constant 2 : i32
        %dma_wait3A_217 = arith.constant 0 : i32
        %dma_wait3A_218 = arith.constant 0 : i32
        %dma_wait3A_219 = tpu.memref_slice %arg10[%dma_wait3A_216, %dma_wait3A_217, %dma_wait3A_218] : memref<4x128x32xf32, #tpu.memory_space<vmem>> -> memref<1x128x32xf32, #tpu.memory_space<vmem>>
        %dma_wait3A_220 = tpu.memref_squeeze %dma_wait3A_219 : memref<1x128x32xf32, #tpu.memory_space<vmem>> -> memref<128x32xf32, #tpu.memory_space<vmem>>
        %dma_wait3A_221 = arith.constant 0 : i32
        %dma_wait3A_222 = tpu.memref_slice %arg8[%dma_wait3A_215, %dma_wait3A_221] : memref<4x128xi32, #tpu.memory_space<vmem>> -> memref<1x128xi32, #tpu.memory_space<vmem>>
        %dma_wait3A_223 = tpu.memref_squeeze %dma_wait3A_222 : memref<1x128xi32, #tpu.memory_space<vmem>> -> memref<128xi32, #tpu.memory_space<vmem>>
        %dma_wait3A_224 = arith.constant 0 : i32
        %dma_wait3A_225 = arith.constant 0 : i32
        %dma_wait3A_226 = tpu.memref_slice %arg2[%dma_wait3A_224, %dma_wait3A_225] : memref<50000x32xf32, #tpu.memory_space<hbm>> -> memref<50000x32xf32, #tpu.memory_space<hbm>>
        tpu.wait_indirect_dma semaphore(%arg13 : memref<!tpu.dma_semaphore, #tpu.memory_space<semaphore_mem>>) src(%dma_wait3A_226 : memref<50000x32xf32, #tpu.memory_space<hbm>>) dst(%dma_wait3A_220 : memref<128x32xf32, #tpu.memory_space<vmem>>)
        %dma_wait3A_227 = arith.constant 3 : i32
        %dma_wait3A_228 = arith.constant 3 : i32
        %dma_wait3A_229 = arith.constant 0 : i32
        %dma_wait3A_230 = arith.constant 0 : i32
        %dma_wait3A_231 = tpu.memref_slice %arg10[%dma_wait3A_228, %dma_wait3A_229, %dma_wait3A_230] : memref<4x128x32xf32, #tpu.memory_space<vmem>> -> memref<1x128x32xf32, #tpu.memory_space<vmem>>
        %dma_wait3A_232 = tpu.memref_squeeze %dma_wait3A_231 : memref<1x128x32xf32, #tpu.memory_space<vmem>> -> memref<128x32xf32, #tpu.memory_space<vmem>>
        %dma_wait3A_233 = arith.constant 0 : i32
        %dma_wait3A_234 = tpu.memref_slice %arg8[%dma_wait3A_227, %dma_wait3A_233] : memref<4x128xi32, #tpu.memory_space<vmem>> -> memref<1x128xi32, #tpu.memory_space<vmem>>
        %dma_wait3A_235 = tpu.memref_squeeze %dma_wait3A_234 : memref<1x128xi32, #tpu.memory_space<vmem>> -> memref<128xi32, #tpu.memory_space<vmem>>
        %dma_wait3A_236 = arith.constant 0 : i32
        %dma_wait3A_237 = arith.constant 0 : i32
        %dma_wait3A_238 = tpu.memref_slice %arg2[%dma_wait3A_236, %dma_wait3A_237] : memref<50000x32xf32, #tpu.memory_space<hbm>> -> memref<50000x32xf32, #tpu.memory_space<hbm>>
        tpu.wait_indirect_dma semaphore(%arg13 : memref<!tpu.dma_semaphore, #tpu.memory_space<semaphore_mem>>) src(%dma_wait3A_238 : memref<50000x32xf32, #tpu.memory_space<hbm>>) dst(%dma_wait3A_232 : memref<128x32xf32, #tpu.memory_space<vmem>>)
      } else {
      }
      %eq3A_43 = arith.constant 1 : i32
      %eq3A_44 = arith.cmpi eq, %arg0, %eq3A_43 : i32
      %convert_element_type3A_45 = arith.extui %eq3A_44 : i1 to i32
      %cond3A_46 = arith.constant 0 : i32
      %cond3A_47 = arith.cmpi ne, %convert_element_type3A_45, %cond3A_46 : i32
      scf.if %cond3A_47 {
        %dma_start3A_143 = arith.constant 0 : i32
        %dma_start3A_144 = arith.constant 0 : i32
        %dma_start3A_145 = arith.constant 0 : i32
        %dma_start3A_146 = arith.constant 0 : i32
        %dma_start3A_147 = tpu.memref_slice %arg10[%dma_start3A_144, %dma_start3A_145, %dma_start3A_146] : memref<4x128x32xf32, #tpu.memory_space<vmem>> -> memref<1x128x32xf32, #tpu.memory_space<vmem>>
        %dma_start3A_148 = tpu.memref_squeeze %dma_start3A_147 : memref<1x128x32xf32, #tpu.memory_space<vmem>> -> memref<128x32xf32, #tpu.memory_space<vmem>>
        %dma_start3A_149 = arith.constant 0 : i32
        %dma_start3A_150 = tpu.memref_slice %arg8[%dma_start3A_143, %dma_start3A_149] : memref<4x128xi32, #tpu.memory_space<vmem>> -> memref<1x128xi32, #tpu.memory_space<vmem>>
        %dma_start3A_151 = tpu.memref_squeeze %dma_start3A_150 : memref<1x128xi32, #tpu.memory_space<vmem>> -> memref<128xi32, #tpu.memory_space<vmem>>
        %dma_start3A_152 = arith.constant 0 : i32
        %dma_start3A_153 = arith.constant 0 : i32
        %dma_start3A_154 = tpu.memref_slice %arg3[%dma_start3A_152, %dma_start3A_153] : memref<50000x32xf32, #tpu.memory_space<hbm>> -> memref<50000x32xf32, #tpu.memory_space<hbm>>
        tpu.enqueue_indirect_dma source(%dma_start3A_154 : memref<50000x32xf32, #tpu.memory_space<hbm>>) target(%dma_start3A_148 : memref<128x32xf32, #tpu.memory_space<vmem>>) offsets(%dma_start3A_151 : memref<128xi32, #tpu.memory_space<vmem>>) semaphore(%arg13 : memref<!tpu.dma_semaphore, #tpu.memory_space<semaphore_mem>>)
        %dma_start3A_155 = arith.constant 1 : i32
        %dma_start3A_156 = arith.constant 1 : i32
        %dma_start3A_157 = arith.constant 0 : i32
        %dma_start3A_158 = arith.constant 0 : i32
        %dma_start3A_159 = tpu.memref_slice %arg10[%dma_start3A_156, %dma_start3A_157, %dma_start3A_158] : memref<4x128x32xf32, #tpu.memory_space<vmem>> -> memref<1x128x32xf32, #tpu.memory_space<vmem>>
        %dma_start3A_160 = tpu.memref_squeeze %dma_start3A_159 : memref<1x128x32xf32, #tpu.memory_space<vmem>> -> memref<128x32xf32, #tpu.memory_space<vmem>>
        %dma_start3A_161 = arith.constant 0 : i32
        %dma_start3A_162 = tpu.memref_slice %arg8[%dma_start3A_155, %dma_start3A_161] : memref<4x128xi32, #tpu.memory_space<vmem>> -> memref<1x128xi32, #tpu.memory_space<vmem>>
        %dma_start3A_163 = tpu.memref_squeeze %dma_start3A_162 : memref<1x128xi32, #tpu.memory_space<vmem>> -> memref<128xi32, #tpu.memory_space<vmem>>
        %dma_start3A_164 = arith.constant 0 : i32
        %dma_start3A_165 = arith.constant 0 : i32
        %dma_start3A_166 = tpu.memref_slice %arg3[%dma_start3A_164, %dma_start3A_165] : memref<50000x32xf32, #tpu.memory_space<hbm>> -> memref<50000x32xf32, #tpu.memory_space<hbm>>
        tpu.enqueue_indirect_dma source(%dma_start3A_166 : memref<50000x32xf32, #tpu.memory_space<hbm>>) target(%dma_start3A_160 : memref<128x32xf32, #tpu.memory_space<vmem>>) offsets(%dma_start3A_163 : memref<128xi32, #tpu.memory_space<vmem>>) semaphore(%arg13 : memref<!tpu.dma_semaphore, #tpu.memory_space<semaphore_mem>>)
        %dma_start3A_167 = arith.constant 2 : i32
        %dma_start3A_168 = arith.constant 2 : i32
        %dma_start3A_169 = arith.constant 0 : i32
        %dma_start3A_170 = arith.constant 0 : i32
        %dma_start3A_171 = tpu.memref_slice %arg10[%dma_start3A_168, %dma_start3A_169, %dma_start3A_170] : memref<4x128x32xf32, #tpu.memory_space<vmem>> -> memref<1x128x32xf32, #tpu.memory_space<vmem>>
        %dma_start3A_172 = tpu.memref_squeeze %dma_start3A_171 : memref<1x128x32xf32, #tpu.memory_space<vmem>> -> memref<128x32xf32, #tpu.memory_space<vmem>>
        %dma_start3A_173 = arith.constant 0 : i32
        %dma_start3A_174 = tpu.memref_slice %arg8[%dma_start3A_167, %dma_start3A_173] : memref<4x128xi32, #tpu.memory_space<vmem>> -> memref<1x128xi32, #tpu.memory_space<vmem>>
        %dma_start3A_175 = tpu.memref_squeeze %dma_start3A_174 : memref<1x128xi32, #tpu.memory_space<vmem>> -> memref<128xi32, #tpu.memory_space<vmem>>
        %dma_start3A_176 = arith.constant 0 : i32
        %dma_start3A_177 = arith.constant 0 : i32
        %dma_start3A_178 = tpu.memref_slice %arg3[%dma_start3A_176, %dma_start3A_177] : memref<50000x32xf32, #tpu.memory_space<hbm>> -> memref<50000x32xf32, #tpu.memory_space<hbm>>
        tpu.enqueue_indirect_dma source(%dma_start3A_178 : memref<50000x32xf32, #tpu.memory_space<hbm>>) target(%dma_start3A_172 : memref<128x32xf32, #tpu.memory_space<vmem>>) offsets(%dma_start3A_175 : memref<128xi32, #tpu.memory_space<vmem>>) semaphore(%arg13 : memref<!tpu.dma_semaphore, #tpu.memory_space<semaphore_mem>>)
        %dma_start3A_179 = arith.constant 3 : i32
        %dma_start3A_180 = arith.constant 3 : i32
        %dma_start3A_181 = arith.constant 0 : i32
        %dma_start3A_182 = arith.constant 0 : i32
        %dma_start3A_183 = tpu.memref_slice %arg10[%dma_start3A_180, %dma_start3A_181, %dma_start3A_182] : memref<4x128x32xf32, #tpu.memory_space<vmem>> -> memref<1x128x32xf32, #tpu.memory_space<vmem>>
        %dma_start3A_184 = tpu.memref_squeeze %dma_start3A_183 : memref<1x128x32xf32, #tpu.memory_space<vmem>> -> memref<128x32xf32, #tpu.memory_space<vmem>>
        %dma_start3A_185 = arith.constant 0 : i32
        %dma_start3A_186 = tpu.memref_slice %arg8[%dma_start3A_179, %dma_start3A_185] : memref<4x128xi32, #tpu.memory_space<vmem>> -> memref<1x128xi32, #tpu.memory_space<vmem>>
        %dma_start3A_187 = tpu.memref_squeeze %dma_start3A_186 : memref<1x128xi32, #tpu.memory_space<vmem>> -> memref<128xi32, #tpu.memory_space<vmem>>
        %dma_start3A_188 = arith.constant 0 : i32
        %dma_start3A_189 = arith.constant 0 : i32
        %dma_start3A_190 = tpu.memref_slice %arg3[%dma_start3A_188, %dma_start3A_189] : memref<50000x32xf32, #tpu.memory_space<hbm>> -> memref<50000x32xf32, #tpu.memory_space<hbm>>
        tpu.enqueue_indirect_dma source(%dma_start3A_190 : memref<50000x32xf32, #tpu.memory_space<hbm>>) target(%dma_start3A_184 : memref<128x32xf32, #tpu.memory_space<vmem>>) offsets(%dma_start3A_187 : memref<128xi32, #tpu.memory_space<vmem>>) semaphore(%arg13 : memref<!tpu.dma_semaphore, #tpu.memory_space<semaphore_mem>>)
        %dma_wait3A_191 = arith.constant 0 : i32
        %dma_wait3A_192 = arith.constant 0 : i32
        %dma_wait3A_193 = arith.constant 0 : i32
        %dma_wait3A_194 = arith.constant 0 : i32
        %dma_wait3A_195 = tpu.memref_slice %arg10[%dma_wait3A_192, %dma_wait3A_193, %dma_wait3A_194] : memref<4x128x32xf32, #tpu.memory_space<vmem>> -> memref<1x128x32xf32, #tpu.memory_space<vmem>>
        %dma_wait3A_196 = tpu.memref_squeeze %dma_wait3A_195 : memref<1x128x32xf32, #tpu.memory_space<vmem>> -> memref<128x32xf32, #tpu.memory_space<vmem>>
        %dma_wait3A_197 = arith.constant 0 : i32
        %dma_wait3A_198 = tpu.memref_slice %arg8[%dma_wait3A_191, %dma_wait3A_197] : memref<4x128xi32, #tpu.memory_space<vmem>> -> memref<1x128xi32, #tpu.memory_space<vmem>>
        %dma_wait3A_199 = tpu.memref_squeeze %dma_wait3A_198 : memref<1x128xi32, #tpu.memory_space<vmem>> -> memref<128xi32, #tpu.memory_space<vmem>>
        %dma_wait3A_200 = arith.constant 0 : i32
        %dma_wait3A_201 = arith.constant 0 : i32
        %dma_wait3A_202 = tpu.memref_slice %arg3[%dma_wait3A_200, %dma_wait3A_201] : memref<50000x32xf32, #tpu.memory_space<hbm>> -> memref<50000x32xf32, #tpu.memory_space<hbm>>
        tpu.wait_indirect_dma semaphore(%arg13 : memref<!tpu.dma_semaphore, #tpu.memory_space<semaphore_mem>>) src(%dma_wait3A_202 : memref<50000x32xf32, #tpu.memory_space<hbm>>) dst(%dma_wait3A_196 : memref<128x32xf32, #tpu.memory_space<vmem>>)
        %dma_wait3A_203 = arith.constant 1 : i32
        %dma_wait3A_204 = arith.constant 1 : i32
        %dma_wait3A_205 = arith.constant 0 : i32
        %dma_wait3A_206 = arith.constant 0 : i32
        %dma_wait3A_207 = tpu.memref_slice %arg10[%dma_wait3A_204, %dma_wait3A_205, %dma_wait3A_206] : memref<4x128x32xf32, #tpu.memory_space<vmem>> -> memref<1x128x32xf32, #tpu.memory_space<vmem>>
        %dma_wait3A_208 = tpu.memref_squeeze %dma_wait3A_207 : memref<1x128x32xf32, #tpu.memory_space<vmem>> -> memref<128x32xf32, #tpu.memory_space<vmem>>
        %dma_wait3A_209 = arith.constant 0 : i32
        %dma_wait3A_210 = tpu.memref_slice %arg8[%dma_wait3A_203, %dma_wait3A_209] : memref<4x128xi32, #tpu.memory_space<vmem>> -> memref<1x128xi32, #tpu.memory_space<vmem>>
        %dma_wait3A_211 = tpu.memref_squeeze %dma_wait3A_210 : memref<1x128xi32, #tpu.memory_space<vmem>> -> memref<128xi32, #tpu.memory_space<vmem>>
        %dma_wait3A_212 = arith.constant 0 : i32
        %dma_wait3A_213 = arith.constant 0 : i32
        %dma_wait3A_214 = tpu.memref_slice %arg3[%dma_wait3A_212, %dma_wait3A_213] : memref<50000x32xf32, #tpu.memory_space<hbm>> -> memref<50000x32xf32, #tpu.memory_space<hbm>>
        tpu.wait_indirect_dma semaphore(%arg13 : memref<!tpu.dma_semaphore, #tpu.memory_space<semaphore_mem>>) src(%dma_wait3A_214 : memref<50000x32xf32, #tpu.memory_space<hbm>>) dst(%dma_wait3A_208 : memref<128x32xf32, #tpu.memory_space<vmem>>)
        %dma_wait3A_215 = arith.constant 2 : i32
        %dma_wait3A_216 = arith.constant 2 : i32
        %dma_wait3A_217 = arith.constant 0 : i32
        %dma_wait3A_218 = arith.constant 0 : i32
        %dma_wait3A_219 = tpu.memref_slice %arg10[%dma_wait3A_216, %dma_wait3A_217, %dma_wait3A_218] : memref<4x128x32xf32, #tpu.memory_space<vmem>> -> memref<1x128x32xf32, #tpu.memory_space<vmem>>
        %dma_wait3A_220 = tpu.memref_squeeze %dma_wait3A_219 : memref<1x128x32xf32, #tpu.memory_space<vmem>> -> memref<128x32xf32, #tpu.memory_space<vmem>>
        %dma_wait3A_221 = arith.constant 0 : i32
        %dma_wait3A_222 = tpu.memref_slice %arg8[%dma_wait3A_215, %dma_wait3A_221] : memref<4x128xi32, #tpu.memory_space<vmem>> -> memref<1x128xi32, #tpu.memory_space<vmem>>
        %dma_wait3A_223 = tpu.memref_squeeze %dma_wait3A_222 : memref<1x128xi32, #tpu.memory_space<vmem>> -> memref<128xi32, #tpu.memory_space<vmem>>
        %dma_wait3A_224 = arith.constant 0 : i32
        %dma_wait3A_225 = arith.constant 0 : i32
        %dma_wait3A_226 = tpu.memref_slice %arg3[%dma_wait3A_224, %dma_wait3A_225] : memref<50000x32xf32, #tpu.memory_space<hbm>> -> memref<50000x32xf32, #tpu.memory_space<hbm>>
        tpu.wait_indirect_dma semaphore(%arg13 : memref<!tpu.dma_semaphore, #tpu.memory_space<semaphore_mem>>) src(%dma_wait3A_226 : memref<50000x32xf32, #tpu.memory_space<hbm>>) dst(%dma_wait3A_220 : memref<128x32xf32, #tpu.memory_space<vmem>>)
        %dma_wait3A_227 = arith.constant 3 : i32
        %dma_wait3A_228 = arith.constant 3 : i32
        %dma_wait3A_229 = arith.constant 0 : i32
        %dma_wait3A_230 = arith.constant 0 : i32
        %dma_wait3A_231 = tpu.memref_slice %arg10[%dma_wait3A_228, %dma_wait3A_229, %dma_wait3A_230] : memref<4x128x32xf32, #tpu.memory_space<vmem>> -> memref<1x128x32xf32, #tpu.memory_space<vmem>>
        %dma_wait3A_232 = tpu.memref_squeeze %dma_wait3A_231 : memref<1x128x32xf32, #tpu.memory_space<vmem>> -> memref<128x32xf32, #tpu.memory_space<vmem>>
        %dma_wait3A_233 = arith.constant 0 : i32
        %dma_wait3A_234 = tpu.memref_slice %arg8[%dma_wait3A_227, %dma_wait3A_233] : memref<4x128xi32, #tpu.memory_space<vmem>> -> memref<1x128xi32, #tpu.memory_space<vmem>>
        %dma_wait3A_235 = tpu.memref_squeeze %dma_wait3A_234 : memref<1x128xi32, #tpu.memory_space<vmem>> -> memref<128xi32, #tpu.memory_space<vmem>>
        %dma_wait3A_236 = arith.constant 0 : i32
        %dma_wait3A_237 = arith.constant 0 : i32
        %dma_wait3A_238 = tpu.memref_slice %arg3[%dma_wait3A_236, %dma_wait3A_237] : memref<50000x32xf32, #tpu.memory_space<hbm>> -> memref<50000x32xf32, #tpu.memory_space<hbm>>
        tpu.wait_indirect_dma semaphore(%arg13 : memref<!tpu.dma_semaphore, #tpu.memory_space<semaphore_mem>>) src(%dma_wait3A_238 : memref<50000x32xf32, #tpu.memory_space<hbm>>) dst(%dma_wait3A_232 : memref<128x32xf32, #tpu.memory_space<vmem>>)
      } else {
      }
      %dma_start3A = arith.constant 0 : i32
      %dma_start3A_48 = arith.constant 0 : i32
      %dma_start3A_49 = arith.constant 0 : i32
      %dma_start3A_50 = arith.constant 0 : i32
      %dma_start3A_51 = tpu.memref_slice %arg10[%dma_start3A, %dma_start3A_49, %dma_start3A_50] : memref<4x128x32xf32, #tpu.memory_space<vmem>> -> memref<1x128x32xf32, #tpu.memory_space<vmem>>
      %dma_start3A_52 = tpu.memref_squeeze %dma_start3A_51 : memref<1x128x32xf32, #tpu.memory_space<vmem>> -> memref<128x32xf32, #tpu.memory_space<vmem>>
      %dma_start3A_53 = arith.constant 0 : i32
      %dma_start3A_54 = tpu.memref_slice %arg9[%dma_start3A_48, %dma_start3A_53] : memref<4x128xi32, #tpu.memory_space<vmem>> -> memref<1x128xi32, #tpu.memory_space<vmem>>
      %dma_start3A_55 = tpu.memref_squeeze %dma_start3A_54 : memref<1x128xi32, #tpu.memory_space<vmem>> -> memref<128xi32, #tpu.memory_space<vmem>>
      %dma_start3A_56 = arith.constant 0 : i32
      %dma_start3A_57 = arith.constant 0 : i32
      %dma_start3A_58 = tpu.memref_slice %arg12[%dma_start3A_56, %dma_start3A_57] : memref<50176x32xf32, #tpu.memory_space<vmem_shared>> -> memref<50176x32xf32, #tpu.memory_space<vmem_shared>>
      tpu.enqueue_indirect_dma source(%dma_start3A_52 : memref<128x32xf32, #tpu.memory_space<vmem>>) target(%dma_start3A_58 : memref<50176x32xf32, #tpu.memory_space<vmem_shared>>) offsets(%dma_start3A_55 : memref<128xi32, #tpu.memory_space<vmem>>) semaphore(%arg14 : memref<!tpu.dma_semaphore, #tpu.memory_space<semaphore_mem>>) {add = true}
      %dma_start3A_59 = arith.constant 1 : i32
      %dma_start3A_60 = arith.constant 1 : i32
      %dma_start3A_61 = arith.constant 0 : i32
      %dma_start3A_62 = arith.constant 0 : i32
      %dma_start3A_63 = tpu.memref_slice %arg10[%dma_start3A_59, %dma_start3A_61, %dma_start3A_62] : memref<4x128x32xf32, #tpu.memory_space<vmem>> -> memref<1x128x32xf32, #tpu.memory_space<vmem>>
      %dma_start3A_64 = tpu.memref_squeeze %dma_start3A_63 : memref<1x128x32xf32, #tpu.memory_space<vmem>> -> memref<128x32xf32, #tpu.memory_space<vmem>>
      %dma_start3A_65 = arith.constant 0 : i32
      %dma_start3A_66 = tpu.memref_slice %arg9[%dma_start3A_60, %dma_start3A_65] : memref<4x128xi32, #tpu.memory_space<vmem>> -> memref<1x128xi32, #tpu.memory_space<vmem>>
      %dma_start3A_67 = tpu.memref_squeeze %dma_start3A_66 : memref<1x128xi32, #tpu.memory_space<vmem>> -> memref<128xi32, #tpu.memory_space<vmem>>
      %dma_start3A_68 = arith.constant 0 : i32
      %dma_start3A_69 = arith.constant 0 : i32
      %dma_start3A_70 = tpu.memref_slice %arg12[%dma_start3A_68, %dma_start3A_69] : memref<50176x32xf32, #tpu.memory_space<vmem_shared>> -> memref<50176x32xf32, #tpu.memory_space<vmem_shared>>
      tpu.enqueue_indirect_dma source(%dma_start3A_64 : memref<128x32xf32, #tpu.memory_space<vmem>>) target(%dma_start3A_70 : memref<50176x32xf32, #tpu.memory_space<vmem_shared>>) offsets(%dma_start3A_67 : memref<128xi32, #tpu.memory_space<vmem>>) semaphore(%arg14 : memref<!tpu.dma_semaphore, #tpu.memory_space<semaphore_mem>>) {add = true}
      %dma_start3A_71 = arith.constant 2 : i32
      %dma_start3A_72 = arith.constant 2 : i32
      %dma_start3A_73 = arith.constant 0 : i32
      %dma_start3A_74 = arith.constant 0 : i32
      %dma_start3A_75 = tpu.memref_slice %arg10[%dma_start3A_71, %dma_start3A_73, %dma_start3A_74] : memref<4x128x32xf32, #tpu.memory_space<vmem>> -> memref<1x128x32xf32, #tpu.memory_space<vmem>>
      %dma_start3A_76 = tpu.memref_squeeze %dma_start3A_75 : memref<1x128x32xf32, #tpu.memory_space<vmem>> -> memref<128x32xf32, #tpu.memory_space<vmem>>
      %dma_start3A_77 = arith.constant 0 : i32
      %dma_start3A_78 = tpu.memref_slice %arg9[%dma_start3A_72, %dma_start3A_77] : memref<4x128xi32, #tpu.memory_space<vmem>> -> memref<1x128xi32, #tpu.memory_space<vmem>>
      %dma_start3A_79 = tpu.memref_squeeze %dma_start3A_78 : memref<1x128xi32, #tpu.memory_space<vmem>> -> memref<128xi32, #tpu.memory_space<vmem>>
      %dma_start3A_80 = arith.constant 0 : i32
      %dma_start3A_81 = arith.constant 0 : i32
      %dma_start3A_82 = tpu.memref_slice %arg12[%dma_start3A_80, %dma_start3A_81] : memref<50176x32xf32, #tpu.memory_space<vmem_shared>> -> memref<50176x32xf32, #tpu.memory_space<vmem_shared>>
      tpu.enqueue_indirect_dma source(%dma_start3A_76 : memref<128x32xf32, #tpu.memory_space<vmem>>) target(%dma_start3A_82 : memref<50176x32xf32, #tpu.memory_space<vmem_shared>>) offsets(%dma_start3A_79 : memref<128xi32, #tpu.memory_space<vmem>>) semaphore(%arg14 : memref<!tpu.dma_semaphore, #tpu.memory_space<semaphore_mem>>) {add = true}
      %dma_start3A_83 = arith.constant 3 : i32
      %dma_start3A_84 = arith.constant 3 : i32
      %dma_start3A_85 = arith.constant 0 : i32
      %dma_start3A_86 = arith.constant 0 : i32
      %dma_start3A_87 = tpu.memref_slice %arg10[%dma_start3A_83, %dma_start3A_85, %dma_start3A_86] : memref<4x128x32xf32, #tpu.memory_space<vmem>> -> memref<1x128x32xf32, #tpu.memory_space<vmem>>
      %dma_start3A_88 = tpu.memref_squeeze %dma_start3A_87 : memref<1x128x32xf32, #tpu.memory_space<vmem>> -> memref<128x32xf32, #tpu.memory_space<vmem>>
      %dma_start3A_89 = arith.constant 0 : i32
      %dma_start3A_90 = tpu.memref_slice %arg9[%dma_start3A_84, %dma_start3A_89] : memref<4x128xi32, #tpu.memory_space<vmem>> -> memref<1x128xi32, #tpu.memory_space<vmem>>
      %dma_start3A_91 = tpu.memref_squeeze %dma_start3A_90 : memref<1x128xi32, #tpu.memory_space<vmem>> -> memref<128xi32, #tpu.memory_space<vmem>>
      %dma_start3A_92 = arith.constant 0 : i32
      %dma_start3A_93 = arith.constant 0 : i32
      %dma_start3A_94 = tpu.memref_slice %arg12[%dma_start3A_92, %dma_start3A_93] : memref<50176x32xf32, #tpu.memory_space<vmem_shared>> -> memref<50176x32xf32, #tpu.memory_space<vmem_shared>>
      tpu.enqueue_indirect_dma source(%dma_start3A_88 : memref<128x32xf32, #tpu.memory_space<vmem>>) target(%dma_start3A_94 : memref<50176x32xf32, #tpu.memory_space<vmem_shared>>) offsets(%dma_start3A_91 : memref<128xi32, #tpu.memory_space<vmem>>) semaphore(%arg14 : memref<!tpu.dma_semaphore, #tpu.memory_space<semaphore_mem>>) {add = true}
      %dma_wait3A = arith.constant 0 : i32
      %dma_wait3A_95 = arith.constant 0 : i32
      %dma_wait3A_96 = arith.constant 0 : i32
      %dma_wait3A_97 = arith.constant 0 : i32
      %dma_wait3A_98 = tpu.memref_slice %arg10[%dma_wait3A, %dma_wait3A_96, %dma_wait3A_97] : memref<4x128x32xf32, #tpu.memory_space<vmem>> -> memref<1x128x32xf32, #tpu.memory_space<vmem>>
      %dma_wait3A_99 = tpu.memref_squeeze %dma_wait3A_98 : memref<1x128x32xf32, #tpu.memory_space<vmem>> -> memref<128x32xf32, #tpu.memory_space<vmem>>
      %dma_wait3A_100 = arith.constant 0 : i32
      %dma_wait3A_101 = tpu.memref_slice %arg9[%dma_wait3A_95, %dma_wait3A_100] : memref<4x128xi32, #tpu.memory_space<vmem>> -> memref<1x128xi32, #tpu.memory_space<vmem>>
      %dma_wait3A_102 = tpu.memref_squeeze %dma_wait3A_101 : memref<1x128xi32, #tpu.memory_space<vmem>> -> memref<128xi32, #tpu.memory_space<vmem>>
      %dma_wait3A_103 = arith.constant 0 : i32
      %dma_wait3A_104 = arith.constant 0 : i32
      %dma_wait3A_105 = tpu.memref_slice %arg12[%dma_wait3A_103, %dma_wait3A_104] : memref<50176x32xf32, #tpu.memory_space<vmem_shared>> -> memref<50176x32xf32, #tpu.memory_space<vmem_shared>>
      tpu.wait_indirect_dma semaphore(%arg14 : memref<!tpu.dma_semaphore, #tpu.memory_space<semaphore_mem>>) src(%dma_wait3A_99 : memref<128x32xf32, #tpu.memory_space<vmem>>) dst(%dma_wait3A_105 : memref<50176x32xf32, #tpu.memory_space<vmem_shared>>)
      %dma_wait3A_106 = arith.constant 1 : i32
      %dma_wait3A_107 = arith.constant 1 : i32
      %dma_wait3A_108 = arith.constant 0 : i32
      %dma_wait3A_109 = arith.constant 0 : i32
      %dma_wait3A_110 = tpu.memref_slice %arg10[%dma_wait3A_106, %dma_wait3A_108, %dma_wait3A_109] : memref<4x128x32xf32, #tpu.memory_space<vmem>> -> memref<1x128x32xf32, #tpu.memory_space<vmem>>
      %dma_wait3A_111 = tpu.memref_squeeze %dma_wait3A_110 : memref<1x128x32xf32, #tpu.memory_space<vmem>> -> memref<128x32xf32, #tpu.memory_space<vmem>>
      %dma_wait3A_112 = arith.constant 0 : i32
      %dma_wait3A_113 = tpu.memref_slice %arg9[%dma_wait3A_107, %dma_wait3A_112] : memref<4x128xi32, #tpu.memory_space<vmem>> -> memref<1x128xi32, #tpu.memory_space<vmem>>
      %dma_wait3A_114 = tpu.memref_squeeze %dma_wait3A_113 : memref<1x128xi32, #tpu.memory_space<vmem>> -> memref<128xi32, #tpu.memory_space<vmem>>
      %dma_wait3A_115 = arith.constant 0 : i32
      %dma_wait3A_116 = arith.constant 0 : i32
      %dma_wait3A_117 = tpu.memref_slice %arg12[%dma_wait3A_115, %dma_wait3A_116] : memref<50176x32xf32, #tpu.memory_space<vmem_shared>> -> memref<50176x32xf32, #tpu.memory_space<vmem_shared>>
      tpu.wait_indirect_dma semaphore(%arg14 : memref<!tpu.dma_semaphore, #tpu.memory_space<semaphore_mem>>) src(%dma_wait3A_111 : memref<128x32xf32, #tpu.memory_space<vmem>>) dst(%dma_wait3A_117 : memref<50176x32xf32, #tpu.memory_space<vmem_shared>>)
      %dma_wait3A_118 = arith.constant 2 : i32
      %dma_wait3A_119 = arith.constant 2 : i32
      %dma_wait3A_120 = arith.constant 0 : i32
      %dma_wait3A_121 = arith.constant 0 : i32
      %dma_wait3A_122 = tpu.memref_slice %arg10[%dma_wait3A_118, %dma_wait3A_120, %dma_wait3A_121] : memref<4x128x32xf32, #tpu.memory_space<vmem>> -> memref<1x128x32xf32, #tpu.memory_space<vmem>>
      %dma_wait3A_123 = tpu.memref_squeeze %dma_wait3A_122 : memref<1x128x32xf32, #tpu.memory_space<vmem>> -> memref<128x32xf32, #tpu.memory_space<vmem>>
      %dma_wait3A_124 = arith.constant 0 : i32
      %dma_wait3A_125 = tpu.memref_slice %arg9[%dma_wait3A_119, %dma_wait3A_124] : memref<4x128xi32, #tpu.memory_space<vmem>> -> memref<1x128xi32, #tpu.memory_space<vmem>>
      %dma_wait3A_126 = tpu.memref_squeeze %dma_wait3A_125 : memref<1x128xi32, #tpu.memory_space<vmem>> -> memref<128xi32, #tpu.memory_space<vmem>>
      %dma_wait3A_127 = arith.constant 0 : i32
      %dma_wait3A_128 = arith.constant 0 : i32
      %dma_wait3A_129 = tpu.memref_slice %arg12[%dma_wait3A_127, %dma_wait3A_128] : memref<50176x32xf32, #tpu.memory_space<vmem_shared>> -> memref<50176x32xf32, #tpu.memory_space<vmem_shared>>
      tpu.wait_indirect_dma semaphore(%arg14 : memref<!tpu.dma_semaphore, #tpu.memory_space<semaphore_mem>>) src(%dma_wait3A_123 : memref<128x32xf32, #tpu.memory_space<vmem>>) dst(%dma_wait3A_129 : memref<50176x32xf32, #tpu.memory_space<vmem_shared>>)
      %dma_wait3A_130 = arith.constant 3 : i32
      %dma_wait3A_131 = arith.constant 3 : i32
      %dma_wait3A_132 = arith.constant 0 : i32
      %dma_wait3A_133 = arith.constant 0 : i32
      %dma_wait3A_134 = tpu.memref_slice %arg10[%dma_wait3A_130, %dma_wait3A_132, %dma_wait3A_133] : memref<4x128x32xf32, #tpu.memory_space<vmem>> -> memref<1x128x32xf32, #tpu.memory_space<vmem>>
      %dma_wait3A_135 = tpu.memref_squeeze %dma_wait3A_134 : memref<1x128x32xf32, #tpu.memory_space<vmem>> -> memref<128x32xf32, #tpu.memory_space<vmem>>
      %dma_wait3A_136 = arith.constant 0 : i32
      %dma_wait3A_137 = tpu.memref_slice %arg9[%dma_wait3A_131, %dma_wait3A_136] : memref<4x128xi32, #tpu.memory_space<vmem>> -> memref<1x128xi32, #tpu.memory_space<vmem>>
      %dma_wait3A_138 = tpu.memref_squeeze %dma_wait3A_137 : memref<1x128xi32, #tpu.memory_space<vmem>> -> memref<128xi32, #tpu.memory_space<vmem>>
      %dma_wait3A_139 = arith.constant 0 : i32
      %dma_wait3A_140 = arith.constant 0 : i32
      %dma_wait3A_141 = tpu.memref_slice %arg12[%dma_wait3A_139, %dma_wait3A_140] : memref<50176x32xf32, #tpu.memory_space<vmem_shared>> -> memref<50176x32xf32, #tpu.memory_space<vmem_shared>>
      tpu.wait_indirect_dma semaphore(%arg14 : memref<!tpu.dma_semaphore, #tpu.memory_space<semaphore_mem>>) src(%dma_wait3A_135 : memref<128x32xf32, #tpu.memory_space<vmem>>) dst(%dma_wait3A_141 : memref<50176x32xf32, #tpu.memory_space<vmem_shared>>)
      %scan3A_142 = arith.constant 0 : i32
      scf.yield %scan3A_142 : i32
    }
    %scan3A_21 = arith.constant 100 : i32
    %barrier3A_22 = arith.constant 0 : index
    tpu.barrier barrier_id(%barrier3A_22)
    %mul3A_23 = arith.constant 3128 : i32
    %mul3A_24 = arith.muli %arg1, %mul3A_23 : i32
    %eq3A = arith.constant 0 : i32
    %eq3A_25 = arith.cmpi eq, %arg0, %eq3A : i32
    %convert_element_type3A = arith.extui %eq3A_25 : i1 to i32
    %cond3A = arith.constant 0 : i32
    %cond3A_26 = arith.cmpi ne, %convert_element_type3A, %cond3A : i32
    scf.if %cond3A_26 {
      "tpu.region"() ({
        %run_scoped3A = tpu.sem_alloc : memref<!tpu.dma_semaphore, #tpu.memory_space<semaphore_mem>>
        %dma_start3A = arith.constant 0 : i32
        %dma_start3A_32 = tpu.memref_slice %arg6[%mul3A_24, %dma_start3A] : memref<50048x32xf32, #tpu.memory_space<hbm>> -> memref<3128x32xf32, #tpu.memory_space<hbm>>
        %dma_start3A_33 = arith.constant 0 : i32
        %dma_start3A_34 = tpu.memref_slice %arg12[%mul3A_24, %dma_start3A_33] : memref<50176x32xf32, #tpu.memory_space<vmem_shared>> -> memref<3128x32xf32, #tpu.memory_space<vmem_shared>>
        tpu.enqueue_dma source(%dma_start3A_34 : memref<3128x32xf32, #tpu.memory_space<vmem_shared>>) target(%dma_start3A_32 : memref<3128x32xf32, #tpu.memory_space<hbm>>) target_semaphore(%run_scoped3A : memref<!tpu.dma_semaphore, #tpu.memory_space<semaphore_mem>>)
        %dma_wait3A = arith.constant 0 : i32
        %dma_wait3A_35 = tpu.memref_slice %arg6[%mul3A_24, %dma_wait3A] : memref<50048x32xf32, #tpu.memory_space<hbm>> -> memref<3128x32xf32, #tpu.memory_space<hbm>>
        %dma_wait3A_36 = arith.constant 0 : i32
        %dma_wait3A_37 = tpu.memref_slice %arg12[%mul3A_24, %dma_wait3A_36] : memref<50176x32xf32, #tpu.memory_space<vmem_shared>> -> memref<3128x32xf32, #tpu.memory_space<vmem_shared>>
        tpu.wait_dma2 semaphore(%run_scoped3A : memref<!tpu.dma_semaphore, #tpu.memory_space<semaphore_mem>>) src(%dma_wait3A_37 : memref<3128x32xf32, #tpu.memory_space<vmem_shared>>) dst(%dma_wait3A_35 : memref<3128x32xf32, #tpu.memory_space<hbm>>)
        tpu.yield
      }) : () -> ()
    } else {
    }
    %eq3A_27 = arith.constant 1 : i32
    %eq3A_28 = arith.cmpi eq, %arg0, %eq3A_27 : i32
    %convert_element_type3A_29 = arith.extui %eq3A_28 : i1 to i32
    %cond3A_30 = arith.constant 0 : i32
    %cond3A_31 = arith.cmpi ne, %convert_element_type3A_29, %cond3A_30 : i32
    scf.if %cond3A_31 {
      "tpu.region"() ({
        %run_scoped3A = tpu.sem_alloc : memref<!tpu.dma_semaphore, #tpu.memory_space<semaphore_mem>>
        %dma_start3A = arith.constant 0 : i32
        %dma_start3A_32 = tpu.memref_slice %arg7[%mul3A_24, %dma_start3A] : memref<50048x32xf32, #tpu.memory_space<hbm>> -> memref<3128x32xf32, #tpu.memory_space<hbm>>
        %dma_start3A_33 = arith.constant 0 : i32
        %dma_start3A_34 = tpu.memref_slice %arg12[%mul3A_24, %dma_start3A_33] : memref<50176x32xf32, #tpu.memory_space<vmem_shared>> -> memref<3128x32xf32, #tpu.memory_space<vmem_shared>>
        tpu.enqueue_dma source(%dma_start3A_34 : memref<3128x32xf32, #tpu.memory_space<vmem_shared>>) target(%dma_start3A_32 : memref<3128x32xf32, #tpu.memory_space<hbm>>) target_semaphore(%run_scoped3A : memref<!tpu.dma_semaphore, #tpu.memory_space<semaphore_mem>>)
        %dma_wait3A = arith.constant 0 : i32
        %dma_wait3A_35 = tpu.memref_slice %arg7[%mul3A_24, %dma_wait3A] : memref<50048x32xf32, #tpu.memory_space<hbm>> -> memref<3128x32xf32, #tpu.memory_space<hbm>>
        %dma_wait3A_36 = arith.constant 0 : i32
        %dma_wait3A_37 = tpu.memref_slice %arg12[%mul3A_24, %dma_wait3A_36] : memref<50176x32xf32, #tpu.memory_space<vmem_shared>> -> memref<3128x32xf32, #tpu.memory_space<vmem_shared>>
        tpu.wait_dma2 semaphore(%run_scoped3A : memref<!tpu.dma_semaphore, #tpu.memory_space<semaphore_mem>>) src(%dma_wait3A_37 : memref<3128x32xf32, #tpu.memory_space<vmem_shared>>) dst(%dma_wait3A_35 : memref<3128x32xf32, #tpu.memory_space<hbm>>)
        tpu.yield
      }) : () -> ()
    } else {
    }
    return
  }
}

module attributes {stable_mosaic.version = 14 : i64} {
  func.func @_p1_body(%arg0: i32, %arg1: memref<1000x32xf32, #tpu.memory_space<vmem>>, %arg2: memref<1000x32xf32, #tpu.memory_space<vmem>>, %arg3: memref<1000x32xf32, #tpu.memory_space<vmem>>, %arg4: memref<1000x32xf32, #tpu.memory_space<vmem>>, %arg5: memref<1x2xf32, #tpu.memory_space<vmem>>, %arg6: memref<32x64xf32, #tpu.memory_space<vmem>>, %arg7: memref<16x64xf32, #tpu.memory_space<vmem>>, %arg8: memref<32x64xf32, #tpu.memory_space<vmem>>, %arg9: memref<16x64xf32, #tpu.memory_space<vmem>>, %arg10: memref<1x64xf32, #tpu.memory_space<vmem>>, %arg11: memref<1x64xf32, #tpu.memory_space<vmem>>, %arg12: memref<1000x64xf32, #tpu.memory_space<vmem>>, %arg13: memref<1000x64xf32, #tpu.memory_space<vmem>>, %arg14: memref<1000x64xf32, #tpu.memory_space<vmem>>, %arg15: memref<8x64xf32, #tpu.memory_space<vmem>>) attributes {dimension_semantics = [#tpu.dimension_semantics<arbitrary>], iteration_bounds = array<i64: 50>, scalar_prefetch = 0 : i64, scratch_operands = 0 : i64, tpu.core_type = #tpu.core_type<tc>, window_params = [{transform_indices = @transform_0, window_bounds = array<i64: 1000, 32>}, {transform_indices = @transform_1, window_bounds = array<i64: 1000, 32>}, {transform_indices = @transform_2, window_bounds = array<i64: 1000, 32>}, {transform_indices = @transform_3, window_bounds = array<i64: 1000, 32>}, {pipeline_mode = #tpu.pipeline_mode<synchronous>, transform_indices = @transform_4, window_bounds = array<i64: 1, 2>}, {pipeline_mode = #tpu.pipeline_mode<synchronous>, transform_indices = @transform_5, window_bounds = array<i64: 32, 64>}, {pipeline_mode = #tpu.pipeline_mode<synchronous>, transform_indices = @transform_6, window_bounds = array<i64: 16, 64>}, {pipeline_mode = #tpu.pipeline_mode<synchronous>, transform_indices = @transform_7, window_bounds = array<i64: 32, 64>}, {pipeline_mode = #tpu.pipeline_mode<synchronous>, transform_indices = @transform_8, window_bounds = array<i64: 16, 64>}, {pipeline_mode = #tpu.pipeline_mode<synchronous>, transform_indices = @transform_9, window_bounds = array<i64: 1, 64>}, {pipeline_mode = #tpu.pipeline_mode<synchronous>, transform_indices = @transform_10, window_bounds = array<i64: 1, 64>}, {transform_indices = @transform_11, window_bounds = array<i64: 1000, 64>}, {transform_indices = @transform_12, window_bounds = array<i64: 1000, 64>}, {transform_indices = @transform_13, window_bounds = array<i64: 1000, 64>}, {pipeline_mode = #tpu.pipeline_mode<synchronous>, transform_indices = @transform_14, window_bounds = array<i64: 8, 64>}]} {
    %get3A = arith.constant 0 : index
    %get3A_0 = arith.constant 0 : index
    %get3A_1 = vector.load %arg5[%get3A, %get3A_0] : memref<1x2xf32, #tpu.memory_space<vmem>>, vector<1x1xf32>
    %get3A_2 = vector.extract %get3A_1[0, 0] : f32 from vector<1x1xf32>
    %get3A_3 = arith.constant 0 : index
    %get3A_4 = arith.constant 1 : index
    %get3A_5 = vector.load %arg5[%get3A_3, %get3A_4] : memref<1x2xf32, #tpu.memory_space<vmem>>, vector<1x1xf32>
    %get3A_6 = vector.extract %get3A_5[0, 0] : f32 from vector<1x1xf32>
    %get3A_7 = arith.constant 0 : index
    %get3A_8 = arith.constant 0 : index
    %get3A_9 = vector.load %arg1[%get3A_7, %get3A_8] : memref<1000x32xf32, #tpu.memory_space<vmem>>, vector<1000x32xf32>
    %get3A_10 = arith.constant 0 : index
    %get3A_11 = arith.constant 0 : index
    %get3A_12 = vector.load %arg3[%get3A_10, %get3A_11] : memref<1000x32xf32, #tpu.memory_space<vmem>>, vector<1000x32xf32>
    %get3A_13 = arith.constant 0 : index
    %get3A_14 = arith.constant 0 : index
    %get3A_15 = vector.load %arg2[%get3A_13, %get3A_14] : memref<1000x32xf32, #tpu.memory_space<vmem>>, vector<1000x16xf32>
    %get3A_16 = arith.constant 0 : index
    %get3A_17 = arith.constant 16 : index
    %get3A_18 = vector.load %arg2[%get3A_16, %get3A_17] : memref<1000x32xf32, #tpu.memory_space<vmem>>, vector<1000x16xf32>
    %get3A_19 = arith.constant 0 : index
    %get3A_20 = arith.constant 0 : index
    %get3A_21 = vector.load %arg4[%get3A_19, %get3A_20] : memref<1000x32xf32, #tpu.memory_space<vmem>>, vector<1000x16xf32>
    %get3A_22 = arith.constant 0 : index
    %get3A_23 = arith.constant 16 : index
    %get3A_24 = vector.load %arg4[%get3A_22, %get3A_23] : memref<1000x32xf32, #tpu.memory_space<vmem>>, vector<1000x16xf32>
    %mul3A = vector.broadcast %get3A_2 : f32 to vector<1000x32xf32>
    %mul3A_25 = arith.mulf %mul3A, %get3A_9 : vector<1000x32xf32>
    %add3A = arith.addf %mul3A_25, %get3A_12 : vector<1000x32xf32>
    %get3A_26 = arith.constant 0 : index
    %get3A_27 = arith.constant 0 : index
    %get3A_28 = vector.load %arg6[%get3A_26, %get3A_27] : memref<32x64xf32, #tpu.memory_space<vmem>>, vector<32x64xf32>
    %dot_general3A = arith.constant dense<0.000000e+00> : vector<1000x64xf32>
    %dot_general3A_29 = tpu.matmul %add3A, %get3A_28, %dot_general3A {dimension_numbers = #tpu.dot_dimension_numbers<[1], [0], [0], [1], [0, 0, 1, 1], [], []>, transpose_lhs_hint = false} : vector<1000x32xf32>, vector<32x64xf32>, vector<1000x64xf32> -> vector<1000x64xf32>
    %mul3A_30 = vector.broadcast %get3A_2 : f32 to vector<1000x16xf32>
    %mul3A_31 = arith.mulf %mul3A_30, %get3A_15 : vector<1000x16xf32>
    %add3A_32 = arith.addf %mul3A_31, %get3A_21 : vector<1000x16xf32>
    %get3A_33 = arith.constant 0 : index
    %get3A_34 = arith.constant 0 : index
    %get3A_35 = vector.load %arg7[%get3A_33, %get3A_34] : memref<16x64xf32, #tpu.memory_space<vmem>>, vector<16x64xf32>
    %dot_general3A_36 = arith.constant dense<0.000000e+00> : vector<1000x64xf32>
    %dot_general3A_37 = tpu.matmul %add3A_32, %get3A_35, %dot_general3A_36 {dimension_numbers = #tpu.dot_dimension_numbers<[1], [0], [0], [1], [0, 0, 1, 1], [], []>, transpose_lhs_hint = false} : vector<1000x16xf32>, vector<16x64xf32>, vector<1000x64xf32> -> vector<1000x64xf32>
    %add3A_38 = arith.addf %dot_general3A_29, %dot_general3A_37 : vector<1000x64xf32>
    %get3A_39 = arith.constant 0 : index
    %get3A_40 = arith.constant 0 : index
    %get3A_41 = vector.load %arg10[%get3A_39, %get3A_40] : memref<1x64xf32, #tpu.memory_space<vmem>>, vector<1x64xf32>
    %add3A_42 = vector.broadcast %get3A_41 : vector<1x64xf32> to vector<1000x64xf32>
    %add3A_43 = arith.addf %add3A_38, %add3A_42 : vector<1000x64xf32>
    %mul3A_44 = vector.broadcast %get3A_2 : f32 to vector<1000x16xf32>
    %mul3A_45 = arith.mulf %mul3A_44, %get3A_18 : vector<1000x16xf32>
    %add3A_46 = arith.addf %mul3A_45, %get3A_24 : vector<1000x16xf32>
    %get3A_47 = arith.constant 0 : index
    %get3A_48 = arith.constant 0 : index
    %get3A_49 = vector.load %arg7[%get3A_47, %get3A_48] : memref<16x64xf32, #tpu.memory_space<vmem>>, vector<16x64xf32>
    %dot_general3A_50 = arith.constant dense<0.000000e+00> : vector<1000x64xf32>
    %dot_general3A_51 = tpu.matmul %add3A_46, %get3A_49, %dot_general3A_50 {dimension_numbers = #tpu.dot_dimension_numbers<[1], [0], [0], [1], [0, 0, 1, 1], [], []>, transpose_lhs_hint = false} : vector<1000x16xf32>, vector<16x64xf32>, vector<1000x64xf32> -> vector<1000x64xf32>
    %add3A_52 = arith.addf %dot_general3A_29, %dot_general3A_51 : vector<1000x64xf32>
    %get3A_53 = arith.constant 0 : index
    %get3A_54 = arith.constant 0 : index
    %get3A_55 = vector.load %arg10[%get3A_53, %get3A_54] : memref<1x64xf32, #tpu.memory_space<vmem>>, vector<1x64xf32>
    %add3A_56 = vector.broadcast %get3A_55 : vector<1x64xf32> to vector<1000x64xf32>
    %add3A_57 = arith.addf %add3A_52, %add3A_56 : vector<1000x64xf32>
    %mul3A_58 = vector.broadcast %get3A_6 : f32 to vector<1000x32xf32>
    %mul3A_59 = arith.mulf %mul3A_58, %get3A_9 : vector<1000x32xf32>
    %add3A_60 = arith.addf %mul3A_59, %get3A_12 : vector<1000x32xf32>
    %get3A_61 = arith.constant 0 : index
    %get3A_62 = arith.constant 0 : index
    %get3A_63 = vector.load %arg8[%get3A_61, %get3A_62] : memref<32x64xf32, #tpu.memory_space<vmem>>, vector<32x64xf32>
    %dot_general3A_64 = arith.constant dense<0.000000e+00> : vector<1000x64xf32>
    %dot_general3A_65 = tpu.matmul %add3A_60, %get3A_63, %dot_general3A_64 {dimension_numbers = #tpu.dot_dimension_numbers<[1], [0], [0], [1], [0, 0, 1, 1], [], []>, transpose_lhs_hint = false} : vector<1000x32xf32>, vector<32x64xf32>, vector<1000x64xf32> -> vector<1000x64xf32>
    %add3A_66 = arith.addf %get3A_15, %get3A_18 : vector<1000x16xf32>
    %mul3A_67 = vector.broadcast %get3A_6 : f32 to vector<1000x16xf32>
    %mul3A_68 = arith.mulf %mul3A_67, %add3A_66 : vector<1000x16xf32>
    %add3A_69 = arith.addf %get3A_21, %get3A_24 : vector<1000x16xf32>
    %add3A_70 = arith.addf %mul3A_68, %add3A_69 : vector<1000x16xf32>
    %get3A_71 = arith.constant 0 : index
    %get3A_72 = arith.constant 0 : index
    %get3A_73 = vector.load %arg9[%get3A_71, %get3A_72] : memref<16x64xf32, #tpu.memory_space<vmem>>, vector<16x64xf32>
    %mul3A_74 = arith.constant 5.000000e-01 : f32
    %mul3A_75 = vector.broadcast %mul3A_74 : f32 to vector<16x64xf32>
    %mul3A_76 = arith.mulf %mul3A_75, %get3A_73 : vector<16x64xf32>
    %dot_general3A_77 = arith.constant dense<0.000000e+00> : vector<1000x64xf32>
    %dot_general3A_78 = tpu.matmul %add3A_70, %mul3A_76, %dot_general3A_77 {dimension_numbers = #tpu.dot_dimension_numbers<[1], [0], [0], [1], [0, 0, 1, 1], [], []>, transpose_lhs_hint = false} : vector<1000x16xf32>, vector<16x64xf32>, vector<1000x64xf32> -> vector<1000x64xf32>
    %add3A_79 = arith.addf %dot_general3A_65, %dot_general3A_78 : vector<1000x64xf32>
    %get3A_80 = arith.constant 0 : index
    %get3A_81 = arith.constant 0 : index
    %get3A_82 = vector.load %arg11[%get3A_80, %get3A_81] : memref<1x64xf32, #tpu.memory_space<vmem>>, vector<1x64xf32>
    %add3A_83 = vector.broadcast %get3A_82 : vector<1x64xf32> to vector<1000x64xf32>
    %add3A_84 = arith.addf %add3A_79, %add3A_83 : vector<1000x64xf32>
    %swap3A = arith.constant 0 : index
    %swap3A_85 = arith.constant 0 : index
    %swap3A_86 = vector.load %arg12[%swap3A, %swap3A_85] : memref<1000x64xf32, #tpu.memory_space<vmem>>, vector<1000x64xf32>
    tpu.vector_store %arg12[%swap3A, %swap3A_85], %add3A_43 {strides = array<i32>} : memref<1000x64xf32, #tpu.memory_space<vmem>>, vector<1000x64xf32>,
    %swap3A_87 = arith.constant 0 : index
    %swap3A_88 = arith.constant 0 : index
    %swap3A_89 = vector.load %arg13[%swap3A_87, %swap3A_88] : memref<1000x64xf32, #tpu.memory_space<vmem>>, vector<1000x64xf32>
    tpu.vector_store %arg13[%swap3A_87, %swap3A_88], %add3A_57 {strides = array<i32>} : memref<1000x64xf32, #tpu.memory_space<vmem>>, vector<1000x64xf32>,
    %swap3A_90 = arith.constant 0 : index
    %swap3A_91 = arith.constant 0 : index
    %swap3A_92 = vector.load %arg14[%swap3A_90, %swap3A_91] : memref<1000x64xf32, #tpu.memory_space<vmem>>, vector<1000x64xf32>
    tpu.vector_store %arg14[%swap3A_90, %swap3A_91], %add3A_84 {strides = array<i32>} : memref<1000x64xf32, #tpu.memory_space<vmem>>, vector<1000x64xf32>,
    %reduce_sum3A = arith.constant dense<0.000000e+00> : vector<64xf32>
    %reduce_sum3A_93 = vector.multi_reduction <add>, %add3A_43, %reduce_sum3A [0] : vector<1000x64xf32> to vector<64xf32>
    %reduce_sum3A_94 = arith.constant dense<0.000000e+00> : vector<64xf32>
    %reduce_sum3A_95 = vector.multi_reduction <add>, %add3A_57, %reduce_sum3A_94 [0] : vector<1000x64xf32> to vector<64xf32>
    %add3A_96 = arith.addf %reduce_sum3A_93, %reduce_sum3A_95 : vector<64xf32>
    %mul3A_97 = arith.mulf %add3A_43, %add3A_43 : vector<1000x64xf32>
    %reduce_sum3A_98 = arith.constant dense<0.000000e+00> : vector<64xf32>
    %reduce_sum3A_99 = vector.multi_reduction <add>, %mul3A_97, %reduce_sum3A_98 [0] : vector<1000x64xf32> to vector<64xf32>
    %mul3A_100 = arith.mulf %add3A_57, %add3A_57 : vector<1000x64xf32>
    %reduce_sum3A_101 = arith.constant dense<0.000000e+00> : vector<64xf32>
    %reduce_sum3A_102 = vector.multi_reduction <add>, %mul3A_100, %reduce_sum3A_101 [0] : vector<1000x64xf32> to vector<64xf32>
    %add3A_103 = arith.addf %reduce_sum3A_99, %reduce_sum3A_102 : vector<64xf32>
    %reduce_sum3A_104 = arith.constant dense<0.000000e+00> : vector<64xf32>
    %reduce_sum3A_105 = vector.multi_reduction <add>, %add3A_84, %reduce_sum3A_104 [0] : vector<1000x64xf32> to vector<64xf32>
    %mul3A_106 = arith.mulf %add3A_84, %add3A_84 : vector<1000x64xf32>
    %reduce_sum3A_107 = arith.constant dense<0.000000e+00> : vector<64xf32>
    %reduce_sum3A_108 = vector.multi_reduction <add>, %mul3A_106, %reduce_sum3A_107 [0] : vector<1000x64xf32> to vector<64xf32>
    %broadcast_in_dim3A = arith.constant 0.000000e+00 : f32
    %broadcast_in_dim3A_109 = vector.broadcast %broadcast_in_dim3A : f32 to vector<64xf32>
    %stack3A = vector.shape_cast %add3A_96 : vector<64xf32> to vector<1x64xf32>
    %stack3A_110 = vector.shape_cast %add3A_103 : vector<64xf32> to vector<1x64xf32>
    %stack3A_111 = vector.shape_cast %reduce_sum3A_105 : vector<64xf32> to vector<1x64xf32>
    %stack3A_112 = vector.shape_cast %reduce_sum3A_108 : vector<64xf32> to vector<1x64xf32>
    %stack3A_113 = vector.shape_cast %broadcast_in_dim3A_109 : vector<64xf32> to vector<1x64xf32>
    %stack3A_114 = vector.shape_cast %broadcast_in_dim3A_109 : vector<64xf32> to vector<1x64xf32>
    %stack3A_115 = vector.shape_cast %broadcast_in_dim3A_109 : vector<64xf32> to vector<1x64xf32>
    %stack3A_116 = vector.shape_cast %broadcast_in_dim3A_109 : vector<64xf32> to vector<1x64xf32>
    %stack3A_117 = tpu.concatenate %stack3A, %stack3A_110, %stack3A_111, %stack3A_112, %stack3A_113, %stack3A_114, %stack3A_115, %stack3A_116 in 0 : vector<1x64xf32>, vector<1x64xf32>, vector<1x64xf32>, vector<1x64xf32>, vector<1x64xf32>, vector<1x64xf32>, vector<1x64xf32>, vector<1x64xf32> -> vector<8x64xf32>
    %eq3A = arith.constant 0 : i32
    %eq3A_118 = arith.cmpi eq, %arg0, %eq3A : i32
    %convert_element_type3A = arith.extui %eq3A_118 : i1 to i32
    %cond3A = arith.constant 0 : i32
    %cond3A_119 = arith.cmpi ne, %convert_element_type3A, %cond3A : i32
    scf.if %cond3A_119 {
      %broadcast_in_dim3A_127 = arith.constant 0.000000e+00 : f32
      %broadcast_in_dim3A_128 = vector.broadcast %broadcast_in_dim3A_127 : f32 to vector<8x64xf32>
      %swap3A_129 = arith.constant 0 : index
      %swap3A_130 = arith.constant 0 : index
      %swap3A_131 = vector.load %arg15[%swap3A_129, %swap3A_130] : memref<8x64xf32, #tpu.memory_space<vmem>>, vector<8x64xf32>
      tpu.vector_store %arg15[%swap3A_129, %swap3A_130], %broadcast_in_dim3A_128 {strides = array<i32>} : memref<8x64xf32, #tpu.memory_space<vmem>>, vector<8x64xf32>,
    } else {
    }
    %get3A_120 = arith.constant 0 : index
    %get3A_121 = arith.constant 0 : index
    %get3A_122 = vector.load %arg15[%get3A_120, %get3A_121] : memref<8x64xf32, #tpu.memory_space<vmem>>, vector<8x64xf32>
    %add3A_123 = arith.addf %get3A_122, %stack3A_117 : vector<8x64xf32>
    %swap3A_124 = arith.constant 0 : index
    %swap3A_125 = arith.constant 0 : index
    %swap3A_126 = vector.load %arg15[%swap3A_124, %swap3A_125] : memref<8x64xf32, #tpu.memory_space<vmem>>, vector<8x64xf32>
    tpu.vector_store %arg15[%swap3A_124, %swap3A_125], %add3A_123 {strides = array<i32>} : memref<8x64xf32, #tpu.memory_space<vmem>>, vector<8x64xf32>,
    return
  }
  func.func @transform_0(%arg0: i32) -> (i32, i32) {
    %c0_i32 = arith.constant 0 : i32
    %c0_i32_0 = arith.constant 0 : i32
    return %arg0, %c0_i32 : i32, i32
  }
  func.func @transform_1(%arg0: i32) -> (i32, i32) {
    %c0_i32 = arith.constant 0 : i32
    %c0_i32_0 = arith.constant 0 : i32
    return %arg0, %c0_i32 : i32, i32
  }
  func.func @transform_2(%arg0: i32) -> (i32, i32) {
    %c0_i32 = arith.constant 0 : i32
    %c0_i32_0 = arith.constant 0 : i32
    return %arg0, %c0_i32 : i32, i32
  }
  func.func @transform_3(%arg0: i32) -> (i32, i32) {
    %c0_i32 = arith.constant 0 : i32
    %c0_i32_0 = arith.constant 0 : i32
    return %arg0, %c0_i32 : i32, i32
  }
  func.func @transform_4(%arg0: i32) -> (i32, i32) {
    %c0_i32 = arith.constant 0 : i32
    %c0_i32_0 = arith.constant 0 : i32
    %c0_i32_1 = arith.constant 0 : i32
    return %c0_i32, %c0_i32_0 : i32, i32
  }
  func.func @transform_5(%arg0: i32) -> (i32, i32) {
    %c0_i32 = arith.constant 0 : i32
    %c0_i32_0 = arith.constant 0 : i32
    %c0_i32_1 = arith.constant 0 : i32
    return %c0_i32, %c0_i32_0 : i32, i32
  }
  func.func @transform_6(%arg0: i32) -> (i32, i32) {
    %c0_i32 = arith.constant 0 : i32
    %c0_i32_0 = arith.constant 0 : i32
    %c0_i32_1 = arith.constant 0 : i32
    return %c0_i32, %c0_i32_0 : i32, i32
  }
  func.func @transform_7(%arg0: i32) -> (i32, i32) {
    %c0_i32 = arith.constant 0 : i32
    %c0_i32_0 = arith.constant 0 : i32
    %c0_i32_1 = arith.constant 0 : i32
    return %c0_i32, %c0_i32_0 : i32, i32
  }
  func.func @transform_8(%arg0: i32) -> (i32, i32) {
    %c0_i32 = arith.constant 0 : i32
    %c0_i32_0 = arith.constant 0 : i32
    %c0_i32_1 = arith.constant 0 : i32
    return %c0_i32, %c0_i32_0 : i32, i32
  }
  func.func @transform_9(%arg0: i32) -> (i32, i32) {
    %c0_i32 = arith.constant 0 : i32
    %c0_i32_0 = arith.constant 0 : i32
    %c0_i32_1 = arith.constant 0 : i32
    return %c0_i32, %c0_i32_0 : i32, i32
  }
  func.func @transform_10(%arg0: i32) -> (i32, i32) {
    %c0_i32 = arith.constant 0 : i32
    %c0_i32_0 = arith.constant 0 : i32
    %c0_i32_1 = arith.constant 0 : i32
    return %c0_i32, %c0_i32_0 : i32, i32
  }
  func.func @transform_11(%arg0: i32) -> (i32, i32) {
    %c0_i32 = arith.constant 0 : i32
    %c0_i32_0 = arith.constant 0 : i32
    return %arg0, %c0_i32 : i32, i32
  }
  func.func @transform_12(%arg0: i32) -> (i32, i32) {
    %c0_i32 = arith.constant 0 : i32
    %c0_i32_0 = arith.constant 0 : i32
    return %arg0, %c0_i32 : i32, i32
  }
  func.func @transform_13(%arg0: i32) -> (i32, i32) {
    %c0_i32 = arith.constant 0 : i32
    %c0_i32_0 = arith.constant 0 : i32
    return %arg0, %c0_i32 : i32, i32
  }
  func.func @transform_14(%arg0: i32) -> (i32, i32) {
    %c0_i32 = arith.constant 0 : i32
    %c0_i32_0 = arith.constant 0 : i32
    %c0_i32_1 = arith.constant 0 : i32
    return %c0_i32, %c0_i32_0 : i32, i32
  }
}

module attributes {stable_mosaic.version = 14 : i64} {
  func.func @_p2_body(%arg0: i32, %arg1: memref<1000x64xf32, #tpu.memory_space<vmem>>, %arg2: memref<1000x64xf32, #tpu.memory_space<vmem>>, %arg3: memref<1000x64xf32, #tpu.memory_space<vmem>>, %arg4: memref<8x64xf32, #tpu.memory_space<vmem>>, %arg5: memref<64x64xf32, #tpu.memory_space<vmem>>, %arg6: memref<64x64xf32, #tpu.memory_space<vmem>>, %arg7: memref<1x64xf32, #tpu.memory_space<vmem>>, %arg8: memref<1x64xf32, #tpu.memory_space<vmem>>, %arg9: memref<1x64xf32, #tpu.memory_space<vmem>>, %arg10: memref<1x64xf32, #tpu.memory_space<vmem>>, %arg11: memref<1x64xf32, #tpu.memory_space<vmem>>, %arg12: memref<1x64xf32, #tpu.memory_space<vmem>>, %arg13: memref<1000x128xf32, #tpu.memory_space<vmem>>) attributes {dimension_semantics = [#tpu.dimension_semantics<arbitrary>], iteration_bounds = array<i64: 50>, scalar_prefetch = 0 : i64, scratch_operands = 0 : i64, tpu.core_type = #tpu.core_type<tc>, window_params = [{transform_indices = @transform_0, window_bounds = array<i64: 1000, 64>}, {transform_indices = @transform_1, window_bounds = array<i64: 1000, 64>}, {transform_indices = @transform_2, window_bounds = array<i64: 1000, 64>}, {pipeline_mode = #tpu.pipeline_mode<synchronous>, transform_indices = @transform_3, window_bounds = array<i64: 8, 64>}, {pipeline_mode = #tpu.pipeline_mode<synchronous>, transform_indices = @transform_4, window_bounds = array<i64: 64, 64>}, {pipeline_mode = #tpu.pipeline_mode<synchronous>, transform_indices = @transform_5, window_bounds = array<i64: 64, 64>}, {pipeline_mode = #tpu.pipeline_mode<synchronous>, transform_indices = @transform_6, window_bounds = array<i64: 1, 64>}, {pipeline_mode = #tpu.pipeline_mode<synchronous>, transform_indices = @transform_7, window_bounds = array<i64: 1, 64>}, {pipeline_mode = #tpu.pipeline_mode<synchronous>, transform_indices = @transform_8, window_bounds = array<i64: 1, 64>}, {pipeline_mode = #tpu.pipeline_mode<synchronous>, transform_indices = @transform_9, window_bounds = array<i64: 1, 64>}, {pipeline_mode = #tpu.pipeline_mode<synchronous>, transform_indices = @transform_10, window_bounds = array<i64: 1, 64>}, {pipeline_mode = #tpu.pipeline_mode<synchronous>, transform_indices = @transform_11, window_bounds = array<i64: 1, 64>}, {transform_indices = @transform_12, window_bounds = array<i64: 1000, 128>}]} {
    %get3A = arith.constant 0 : index
    %get3A_0 = arith.constant 0 : index
    %get3A_1 = vector.load %arg4[%get3A, %get3A_0] : memref<8x64xf32, #tpu.memory_space<vmem>>, vector<8x64xf32>
    %slice3A = vector.extract_strided_slice %get3A_1 {offsets = [0, 0], sizes = [1, 64], strides = [1, 1]} : vector<8x64xf32> to vector<1x64xf32>
    %squeeze3A = vector.shape_cast %slice3A : vector<1x64xf32> to vector<64xf32>
    %mul3A = arith.constant 9.99999974E-6 : f32
    %mul3A_2 = vector.broadcast %mul3A : f32 to vector<64xf32>
    %mul3A_3 = arith.mulf %squeeze3A, %mul3A_2 : vector<64xf32>
    %slice3A_4 = vector.extract_strided_slice %get3A_1 {offsets = [1, 0], sizes = [1, 64], strides = [1, 1]} : vector<8x64xf32> to vector<1x64xf32>
    %squeeze3A_5 = vector.shape_cast %slice3A_4 : vector<1x64xf32> to vector<64xf32>
    %mul3A_6 = arith.constant 9.99999974E-6 : f32
    %mul3A_7 = vector.broadcast %mul3A_6 : f32 to vector<64xf32>
    %mul3A_8 = arith.mulf %squeeze3A_5, %mul3A_7 : vector<64xf32>
    %mul3A_9 = arith.mulf %mul3A_3, %mul3A_3 : vector<64xf32>
    %sub3A = arith.subf %mul3A_8, %mul3A_9 : vector<64xf32>
    %get3A_10 = arith.constant 0 : index
    %get3A_11 = arith.constant 0 : index
    %get3A_12 = vector.load %arg9[%get3A_10, %get3A_11] : memref<1x64xf32, #tpu.memory_space<vmem>>, vector<1x64xf32>
    %get3A_13 = vector.shape_cast %get3A_12 : vector<1x64xf32> to vector<64xf32>
    %add3A = arith.constant 9.99999974E-6 : f32
    %add3A_14 = vector.broadcast %add3A : f32 to vector<64xf32>
    %add3A_15 = arith.addf %sub3A, %add3A_14 : vector<64xf32>
    %rsqrt3A = math.rsqrt %add3A_15 : vector<64xf32>
    %mul3A_16 = arith.mulf %get3A_13, %rsqrt3A : vector<64xf32>
    %slice3A_17 = vector.extract_strided_slice %get3A_1 {offsets = [2, 0], sizes = [1, 64], strides = [1, 1]} : vector<8x64xf32> to vector<1x64xf32>
    %squeeze3A_18 = vector.shape_cast %slice3A_17 : vector<1x64xf32> to vector<64xf32>
    %mul3A_19 = arith.constant 2.000000e-05 : f32
    %mul3A_20 = vector.broadcast %mul3A_19 : f32 to vector<64xf32>
    %mul3A_21 = arith.mulf %squeeze3A_18, %mul3A_20 : vector<64xf32>
    %slice3A_22 = vector.extract_strided_slice %get3A_1 {offsets = [3, 0], sizes = [1, 64], strides = [1, 1]} : vector<8x64xf32> to vector<1x64xf32>
    %squeeze3A_23 = vector.shape_cast %slice3A_22 : vector<1x64xf32> to vector<64xf32>
    %mul3A_24 = arith.constant 2.000000e-05 : f32
    %mul3A_25 = vector.broadcast %mul3A_24 : f32 to vector<64xf32>
    %mul3A_26 = arith.mulf %squeeze3A_23, %mul3A_25 : vector<64xf32>
    %mul3A_27 = arith.mulf %mul3A_21, %mul3A_21 : vector<64xf32>
    %sub3A_28 = arith.subf %mul3A_26, %mul3A_27 : vector<64xf32>
    %get3A_29 = arith.constant 0 : index
    %get3A_30 = arith.constant 0 : index
    %get3A_31 = vector.load %arg11[%get3A_29, %get3A_30] : memref<1x64xf32, #tpu.memory_space<vmem>>, vector<1x64xf32>
    %get3A_32 = vector.shape_cast %get3A_31 : vector<1x64xf32> to vector<64xf32>
    %add3A_33 = arith.constant 9.99999974E-6 : f32
    %add3A_34 = vector.broadcast %add3A_33 : f32 to vector<64xf32>
    %add3A_35 = arith.addf %sub3A_28, %add3A_34 : vector<64xf32>
    %rsqrt3A_36 = math.rsqrt %add3A_35 : vector<64xf32>
    %mul3A_37 = arith.mulf %get3A_32, %rsqrt3A_36 : vector<64xf32>
    %get3A_38 = arith.constant 0 : index
    %get3A_39 = arith.constant 0 : index
    %get3A_40 = vector.load %arg1[%get3A_38, %get3A_39] : memref<1000x64xf32, #tpu.memory_space<vmem>>, vector<1000x64xf32>
    %broadcast_in_dim3A = vector.shape_cast %mul3A_3 : vector<64xf32> to vector<1x64xf32>
    %sub3A_41 = vector.broadcast %broadcast_in_dim3A : vector<1x64xf32> to vector<1000x64xf32>
    %sub3A_42 = arith.subf %get3A_40, %sub3A_41 : vector<1000x64xf32>
    %broadcast_in_dim3A_43 = vector.shape_cast %mul3A_16 : vector<64xf32> to vector<1x64xf32>
    %mul3A_44 = vector.broadcast %broadcast_in_dim3A_43 : vector<1x64xf32> to vector<1000x64xf32>
    %mul3A_45 = arith.mulf %sub3A_42, %mul3A_44 : vector<1000x64xf32>
    %get3A_46 = arith.constant 0 : index
    %get3A_47 = arith.constant 0 : index
    %get3A_48 = vector.load %arg10[%get3A_46, %get3A_47] : memref<1x64xf32, #tpu.memory_space<vmem>>, vector<1x64xf32>
    %add3A_49 = vector.broadcast %get3A_48 : vector<1x64xf32> to vector<1000x64xf32>
    %add3A_50 = arith.addf %mul3A_45, %add3A_49 : vector<1000x64xf32>
    %max3A = arith.constant 0.000000e+00 : f32
    %max3A_51 = vector.broadcast %max3A : f32 to vector<1000x64xf32>
    %max3A_52 = arith.maximumf %add3A_50, %max3A_51 : vector<1000x64xf32>
    %get3A_53 = arith.constant 0 : index
    %get3A_54 = arith.constant 0 : index
    %get3A_55 = vector.load %arg5[%get3A_53, %get3A_54] : memref<64x64xf32, #tpu.memory_space<vmem>>, vector<64x64xf32>
    %dot_general3A = arith.constant dense<0.000000e+00> : vector<1000x64xf32>
    %dot_general3A_56 = tpu.matmul %max3A_52, %get3A_55, %dot_general3A {dimension_numbers = #tpu.dot_dimension_numbers<[1], [0], [0], [1], [0, 0, 1, 1], [], []>, transpose_lhs_hint = false} : vector<1000x64xf32>, vector<64x64xf32>, vector<1000x64xf32> -> vector<1000x64xf32>
    %get3A_57 = arith.constant 0 : index
    %get3A_58 = arith.constant 0 : index
    %get3A_59 = vector.load %arg7[%get3A_57, %get3A_58] : memref<1x64xf32, #tpu.memory_space<vmem>>, vector<1x64xf32>
    %add3A_60 = vector.broadcast %get3A_59 : vector<1x64xf32> to vector<1000x64xf32>
    %add3A_61 = arith.addf %dot_general3A_56, %add3A_60 : vector<1000x64xf32>
    %get3A_62 = arith.constant 0 : index
    %get3A_63 = arith.constant 0 : index
    %get3A_64 = vector.load %arg2[%get3A_62, %get3A_63] : memref<1000x64xf32, #tpu.memory_space<vmem>>, vector<1000x64xf32>
    %broadcast_in_dim3A_65 = vector.shape_cast %mul3A_3 : vector<64xf32> to vector<1x64xf32>
    %sub3A_66 = vector.broadcast %broadcast_in_dim3A_65 : vector<1x64xf32> to vector<1000x64xf32>
    %sub3A_67 = arith.subf %get3A_64, %sub3A_66 : vector<1000x64xf32>
    %broadcast_in_dim3A_68 = vector.shape_cast %mul3A_16 : vector<64xf32> to vector<1x64xf32>
    %mul3A_69 = vector.broadcast %broadcast_in_dim3A_68 : vector<1x64xf32> to vector<1000x64xf32>
    %mul3A_70 = arith.mulf %sub3A_67, %mul3A_69 : vector<1000x64xf32>
    %get3A_71 = arith.constant 0 : index
    %get3A_72 = arith.constant 0 : index
    %get3A_73 = vector.load %arg10[%get3A_71, %get3A_72] : memref<1x64xf32, #tpu.memory_space<vmem>>, vector<1x64xf32>
    %add3A_74 = vector.broadcast %get3A_73 : vector<1x64xf32> to vector<1000x64xf32>
    %add3A_75 = arith.addf %mul3A_70, %add3A_74 : vector<1000x64xf32>
    %max3A_76 = arith.constant 0.000000e+00 : f32
    %max3A_77 = vector.broadcast %max3A_76 : f32 to vector<1000x64xf32>
    %max3A_78 = arith.maximumf %add3A_75, %max3A_77 : vector<1000x64xf32>
    %get3A_79 = arith.constant 0 : index
    %get3A_80 = arith.constant 0 : index
    %get3A_81 = vector.load %arg5[%get3A_79, %get3A_80] : memref<64x64xf32, #tpu.memory_space<vmem>>, vector<64x64xf32>
    %dot_general3A_82 = arith.constant dense<0.000000e+00> : vector<1000x64xf32>
    %dot_general3A_83 = tpu.matmul %max3A_78, %get3A_81, %dot_general3A_82 {dimension_numbers = #tpu.dot_dimension_numbers<[1], [0], [0], [1], [0, 0, 1, 1], [], []>, transpose_lhs_hint = false} : vector<1000x64xf32>, vector<64x64xf32>, vector<1000x64xf32> -> vector<1000x64xf32>
    %get3A_84 = arith.constant 0 : index
    %get3A_85 = arith.constant 0 : index
    %get3A_86 = vector.load %arg7[%get3A_84, %get3A_85] : memref<1x64xf32, #tpu.memory_space<vmem>>, vector<1x64xf32>
    %add3A_87 = vector.broadcast %get3A_86 : vector<1x64xf32> to vector<1000x64xf32>
    %add3A_88 = arith.addf %dot_general3A_83, %add3A_87 : vector<1000x64xf32>
    %get3A_89 = arith.constant 0 : index
    %get3A_90 = arith.constant 0 : index
    %get3A_91 = vector.load %arg3[%get3A_89, %get3A_90] : memref<1000x64xf32, #tpu.memory_space<vmem>>, vector<1000x64xf32>
    %broadcast_in_dim3A_92 = vector.shape_cast %mul3A_21 : vector<64xf32> to vector<1x64xf32>
    %sub3A_93 = vector.broadcast %broadcast_in_dim3A_92 : vector<1x64xf32> to vector<1000x64xf32>
    %sub3A_94 = arith.subf %get3A_91, %sub3A_93 : vector<1000x64xf32>
    %broadcast_in_dim3A_95 = vector.shape_cast %mul3A_37 : vector<64xf32> to vector<1x64xf32>
    %mul3A_96 = vector.broadcast %broadcast_in_dim3A_95 : vector<1x64xf32> to vector<1000x64xf32>
    %mul3A_97 = arith.mulf %sub3A_94, %mul3A_96 : vector<1000x64xf32>
    %get3A_98 = arith.constant 0 : index
    %get3A_99 = arith.constant 0 : index
    %get3A_100 = vector.load %arg12[%get3A_98, %get3A_99] : memref<1x64xf32, #tpu.memory_space<vmem>>, vector<1x64xf32>
    %add3A_101 = vector.broadcast %get3A_100 : vector<1x64xf32> to vector<1000x64xf32>
    %add3A_102 = arith.addf %mul3A_97, %add3A_101 : vector<1000x64xf32>
    %max3A_103 = arith.constant 0.000000e+00 : f32
    %max3A_104 = vector.broadcast %max3A_103 : f32 to vector<1000x64xf32>
    %max3A_105 = arith.maximumf %add3A_102, %max3A_104 : vector<1000x64xf32>
    %get3A_106 = arith.constant 0 : index
    %get3A_107 = arith.constant 0 : index
    %get3A_108 = vector.load %arg6[%get3A_106, %get3A_107] : memref<64x64xf32, #tpu.memory_space<vmem>>, vector<64x64xf32>
    %dot_general3A_109 = arith.constant dense<0.000000e+00> : vector<1000x64xf32>
    %dot_general3A_110 = tpu.matmul %max3A_105, %get3A_108, %dot_general3A_109 {dimension_numbers = #tpu.dot_dimension_numbers<[1], [0], [0], [1], [0, 0, 1, 1], [], []>, transpose_lhs_hint = false} : vector<1000x64xf32>, vector<64x64xf32>, vector<1000x64xf32> -> vector<1000x64xf32>
    %get3A_111 = arith.constant 0 : index
    %get3A_112 = arith.constant 0 : index
    %get3A_113 = vector.load %arg8[%get3A_111, %get3A_112] : memref<1x64xf32, #tpu.memory_space<vmem>>, vector<1x64xf32>
    %add3A_114 = vector.broadcast %get3A_113 : vector<1x64xf32> to vector<1000x64xf32>
    %add3A_115 = arith.addf %dot_general3A_110, %add3A_114 : vector<1000x64xf32>
    %add3A_116 = arith.addf %add3A_61, %add3A_115 : vector<1000x64xf32>
    %add3A_117 = arith.addf %add3A_88, %add3A_115 : vector<1000x64xf32>
    %concatenate3A = tpu.concatenate %add3A_116, %add3A_117 in 1 : vector<1000x64xf32>, vector<1000x64xf32> -> vector<1000x128xf32>
    %swap3A = arith.constant 0 : index
    %swap3A_118 = arith.constant 0 : index
    %swap3A_119 = vector.load %arg13[%swap3A, %swap3A_118] : memref<1000x128xf32, #tpu.memory_space<vmem>>, vector<1000x128xf32>
    tpu.vector_store %arg13[%swap3A, %swap3A_118], %concatenate3A {strides = array<i32>} : memref<1000x128xf32, #tpu.memory_space<vmem>>, vector<1000x128xf32>,
    return
  }
  func.func @transform_0(%arg0: i32) -> (i32, i32) {
    %c0_i32 = arith.constant 0 : i32
    %c0_i32_0 = arith.constant 0 : i32
    return %arg0, %c0_i32 : i32, i32
  }
  func.func @transform_1(%arg0: i32) -> (i32, i32) {
    %c0_i32 = arith.constant 0 : i32
    %c0_i32_0 = arith.constant 0 : i32
    return %arg0, %c0_i32 : i32, i32
  }
  func.func @transform_2(%arg0: i32) -> (i32, i32) {
    %c0_i32 = arith.constant 0 : i32
    %c0_i32_0 = arith.constant 0 : i32
    return %arg0, %c0_i32 : i32, i32
  }
  func.func @transform_3(%arg0: i32) -> (i32, i32) {
    %c0_i32 = arith.constant 0 : i32
    %c0_i32_0 = arith.constant 0 : i32
    %c0_i32_1 = arith.constant 0 : i32
    return %c0_i32, %c0_i32_0 : i32, i32
  }
  func.func @transform_4(%arg0: i32) -> (i32, i32) {
    %c0_i32 = arith.constant 0 : i32
    %c0_i32_0 = arith.constant 0 : i32
    %c0_i32_1 = arith.constant 0 : i32
    return %c0_i32, %c0_i32_0 : i32, i32
  }
  func.func @transform_5(%arg0: i32) -> (i32, i32) {
    %c0_i32 = arith.constant 0 : i32
    %c0_i32_0 = arith.constant 0 : i32
    %c0_i32_1 = arith.constant 0 : i32
    return %c0_i32, %c0_i32_0 : i32, i32
  }
  func.func @transform_6(%arg0: i32) -> (i32, i32) {
    %c0_i32 = arith.constant 0 : i32
    %c0_i32_0 = arith.constant 0 : i32
    %c0_i32_1 = arith.constant 0 : i32
    return %c0_i32, %c0_i32_0 : i32, i32
  }
  func.func @transform_7(%arg0: i32) -> (i32, i32) {
    %c0_i32 = arith.constant 0 : i32
    %c0_i32_0 = arith.constant 0 : i32
    %c0_i32_1 = arith.constant 0 : i32
    return %c0_i32, %c0_i32_0 : i32, i32
  }
  func.func @transform_8(%arg0: i32) -> (i32, i32) {
    %c0_i32 = arith.constant 0 : i32
    %c0_i32_0 = arith.constant 0 : i32
    %c0_i32_1 = arith.constant 0 : i32
    return %c0_i32, %c0_i32_0 : i32, i32
  }
  func.func @transform_9(%arg0: i32) -> (i32, i32) {
    %c0_i32 = arith.constant 0 : i32
    %c0_i32_0 = arith.constant 0 : i32
    %c0_i32_1 = arith.constant 0 : i32
    return %c0_i32, %c0_i32_0 : i32, i32
  }
  func.func @transform_10(%arg0: i32) -> (i32, i32) {
    %c0_i32 = arith.constant 0 : i32
    %c0_i32_0 = arith.constant 0 : i32
    %c0_i32_1 = arith.constant 0 : i32
    return %c0_i32, %c0_i32_0 : i32, i32
  }
  func.func @transform_11(%arg0: i32) -> (i32, i32) {
    %c0_i32 = arith.constant 0 : i32
    %c0_i32_0 = arith.constant 0 : i32
    %c0_i32_1 = arith.constant 0 : i32
    return %c0_i32, %c0_i32_0 : i32, i32
  }
  func.func @transform_12(%arg0: i32) -> (i32, i32) {
    %c0_i32 = arith.constant 0 : i32
    %c0_i32_0 = arith.constant 0 : i32
    return %arg0, %c0_i32 : i32, i32
  }
}

</mosaic_0001>

<sc_bundles>
// kernel: kernel.5.cloned.1.call-start
scs
__scs_entry_jumppad:
0x0: {  	(pc) =	sbr.rel $0x88, $3  }
0x1: {  	(tag) =	ssettag $0x0;
	lr =	simm.s32 $0x1  }
0x2: {  	[smem:$0x3F90] =	sst lr;
	_ =	strace $0xD0000000  }
0x3: {  	_ = 	snop  }
0x4: {  	_ = 	snop  }
0x5: {  	_ = 	snop  }
0x6: {  	_ = 	snop  }
0x7: {  	_ = 	snop  }
__scs_overlays_trampoline_lowered:
0x8: {  	[smem:$0x3F9F] =	sst s0  }
0x9: {  	[smem:$0x3FA0] =	sst s1  }
0xa: {  	[smem:$0x3FA1] =	sst s2  }
0xb: {  	[smem:$0x3FA2] =	sst s3  }
0xc: {  	[smem:$0x3FA3] =	sst s4  }
0xd: {  	[smem:$0x3FA4] =	sst s5  }
0xe: {  	[smem:$0x3FA5] =	sst s6  }
0xf: {  	[smem:$0x3FA6] =	sst s7  }
0x10: {  	[smem:$0x3FA7] =	sst s8  }
0x11: {  	[smem:$0x3FA8] =	sst s9;
	s0 =	simm.s32 @!p0 $0x0  }
0x12: {  	s1 =	sld [smem:$0x3F8E];
	s0 =	simm.s32 @p0 $0x1  }
0x13: {  	[smem:$0x3FA9] =	sst s0;
	s0 =	simm.s32 @!p1 $0x0  }
0x14: {  	s2 =	sld [smem:$0x3F8D];
	s0 =	simm.s32 @p1 $0x1  }
0x15: {  	[smem:$0x3FAA] =	sst s0;
	s0 =	simm.s32 @!p2 $0x0  }
0x16: {  	s3 =	sld [smem:$0x3FDB];
	s0 =	simm.s32 @p2 $0x1  }
0x17: {  	s4 =	simm.s32 $0x1BF5;
	[smem:$0x3FAC] =	sst s0  }
0x18: {  	s0 =	sld [smem:$0x3F8F];
	_ =	swait.ge [sflag:s4], $0x0  }
0x19: {  	s7 =	sld [smem:$0x3F90]  }
0x1a: {  	s8 =	sadd.s32 $0xFFFFE003, lr  }
0x1b: {  	s9 =	sadd.s32 $0xFFFFFEF7, lr;
	s5 =	simm.s32 $0xFFFFFFFF;
	p2 =	slt.u32 s8, $0xFFFFF086  }
0x1c: {  	p1 =	slt.u32 s9, $0xF7A;
	s5 =	simm.s32 @!p2 $0x0  }
0x1d: {  	s5 =	simm.s32 @p1 $0x1;
	p0 =	seq.s32 s7, s2  }
0x1e: {  	s7 =	smul.u32 @!p0 $0xF7A, s2;
	p2 =	seq.s32 @!p0 s5, $0x0  }
0x1f: {  	s9 =	smul.u32 $0xF7A, s1;
	s8 =	simm.s32 @!p0 $0x1BF5;
	p2 =	por !p2, p0  }
0x20: {  	[sflag:s8] =	ssyncset.s32 @!p0 $0xFFFFF086;
	s6 =	sadd.s32 @!p0 s3, s7;
	s7 =	simm.s32 @!p0 $0x108  }
0x21: {  	s3 =	sadd.s32 s3, s9;
	s6 =	sadd.s32 @!p0 $0x88, s6;
	s7 =	simm.s32 @p2 $0x1082  }
0x22: {  	[simem:s7], [sflag:s8] =	dma.local @!p0 [hbm:s6], $0xF7A  }
0x23: {  	s9 =	sor.u32 $0xD0000000, s2;
	s6 =	simm.s32 $0x108;
	_ =	swait.ge @!p0 [sflag:s8], $0x0  }
0x24: {  	s3 =	sadd.s32 $0x88, s3;
	s6 =	simm.s32 @!p1 $0x1082;
	[sflag:s4] =	ssyncset.s32 $0xFFFFF086  }
0x25: {  	[simem:s6], [sflag:s4] =	dma.local [hbm:s3], $0xF7A  }
0x26: {  	[smem:$0x3F90] =	sst s1;
	(tag) =	ssettag s2;
	_ =	strace s9  }
0x27: {  	s1 =	sld [smem:$0x3FA0]  }
0x28: {  	s2 =	sld [smem:$0x3FA1]  }
0x29: {  	s4 =	sld [smem:$0x3FA3]  }
0x2a: {  	p0 =	seq.s32 s5, $0x0;
	s5 =	sld [smem:$0x3FA4]  }
0x2b: {  	s6 =	sld [smem:$0x3FA5]  }
0x2c: {  	s7 =	sld [smem:$0x3FA6]  }
0x2d: {  	s3 =	simm.s32 $0x108;
	s8 =	sld [smem:$0x3FA7]  }
0x2e: {  	s3 =	simm.s32 @!p0 $0x1082;
	s9 =	sld [smem:$0x3FA8]  }
0x2f: {  	lr =	sadd.s32 s0, s3;
	s0 =	sld [smem:$0x3F9F]  }
0x30: {  	s3 =	sld [smem:$0x3FA2]  }
0x31: {  	[smem:$0x3FAB] =	sst s10  }
0x32: {  	s10 =	sld [smem:$0x3FA9];
	_ =	sdelay $0x3  }
0x33: {  	p0 =	seq.s32 s10, $0x1;
	s10 =	sld [smem:$0x3FAB];
	_ =	sdelay $0x3  }
0x34: {  	[smem:$0x3FAB] =	sst s10  }
0x35: {  	s10 =	sld [smem:$0x3FAA];
	_ =	sdelay $0x3  }
0x36: {  	p1 =	seq.s32 s10, $0x1;
	s10 =	sld [smem:$0x3FAB];
	_ =	sdelay $0x3  }
0x37: {  	[smem:$0x3FAB] =	sst s10  }
0x38: {  	s10 =	sld [smem:$0x3FAC]  }
0x39: {  	_ = 	snop;
	(pc) =	sbr.ind lr, $3  }
0x3a: {  	_ = 	snop  }
0x3b: {  	_ = 	snop  }
0x3c: {  	p2 =	seq.s32 s10, $0x1;
	s10 =	sld [smem:$0x3FAB]  }
0x3d: {  	_ =	shalt  }
0x3e: {  	_ =	shalt  }
0x3f: {  	_ =	shalt  }
0x40: {  	_ =	shalt  }
0x41: {  	_ =	shalt  }
0x42: {  	_ =	shalt  }
0x43: {  	_ =	shalt  }
0x44: {  	_ =	shalt  }
0x45: {  	_ =	shalt  }
0x46: {  	_ =	shalt  }
0x47: {  	_ =	shalt  }
0x48: {  	_ =	shalt  }
0x49: {  	_ =	shalt  }
0x4a: {  	_ =	shalt  }
0x4b: {  	_ =	shalt  }
0x4c: {  	_ =	shalt  }
0x4d: {  	_ =	shalt  }
0x4e: {  	_ =	shalt  }
0x4f: {  	_ =	shalt  }
0x50: {  	_ =	shalt  }
0x51: {  	_ =	shalt  }
0x52: {  	_ =	shalt  }
0x53: {  	_ =	shalt  }
0x54: {  	_ =	shalt  }
0x55: {  	_ =	shalt  }
0x56: {  	_ =	shalt  }
0x57: {  	_ =	shalt  }
0x58: {  	_ =	shalt  }
0x59: {  	_ =	shalt  }
0x5a: {  	_ =	shalt  }
0x5b: {  	_ =	shalt  }
0x5c: {  	_ =	shalt  }
0x5d: {  	_ =	shalt  }
0x5e: {  	_ =	shalt  }
0x5f: {  	_ =	shalt  }
0x60: {  	_ =	shalt  }
0x61: {  	_ =	shalt  }
0x62: {  	_ =	shalt  }
0x63: {  	_ =	shalt  }
0x64: {  	_ =	shalt  }
0x65: {  	_ =	shalt  }
0x66: {  	_ =	shalt  }
0x67: {  	_ =	shalt  }
0x68: {  	_ =	shalt  }
0x69: {  	_ =	shalt  }
0x6a: {  	_ =	shalt  }
0x6b: {  	_ =	shalt  }
0x6c: {  	_ =	shalt  }
0x6d: {  	_ =	shalt  }
0x6e: {  	_ =	shalt  }
0x6f: {  	_ =	shalt  }
0x70: {  	_ =	shalt  }
0x71: {  	_ =	shalt  }
0x72: {  	_ =	shalt  }
0x73: {  	_ =	shalt  }
0x74: {  	_ =	shalt  }
0x75: {  	_ =	shalt  }
0x76: {  	_ =	shalt  }
0x77: {  	_ =	shalt  }
0x78: {  	_ =	shalt  }
0x79: {  	_ =	shalt  }
0x7a: {  	_ =	shalt  }
0x7b: {  	_ =	shalt  }
0x7c: {  	_ =	shalt  }
0x7d: {  	_ =	shalt  }
0x7e: {  	_ =	shalt  }
0x7f: {  	_ =	shalt  }
0x80: {  	_ =	shalt  }
0x81: {  	_ =	shalt  }
0x82: {  	_ =	shalt  }
0x83: {  	_ =	shalt  }
0x84: {  	_ =	shalt  }
0x85: {  	_ =	shalt  }
0x86: {  	_ =	shalt  }
0x87: {  	_ =	shalt  }
.Lfunc_end0:
.L_simem_size_0:
called_computation_lowered:
.L_overlay_start_0:
0x88: {  	s2 =	sld [smem:$0x3FD9]  }
0x89: {  	s3 =	sld [smem:$0x3FFE];
	_ =	sdelay $0x1  }
0x8a: {  	s1 =	srdreg.scid  }
0x8b: {  	s0 =	sand.u32 $0x1, s1  }
0x8c: {  	s16 =	sshll.u32 s0, $0xA;
	s2 =	sadd.s32 s3, s2  }
0x8d: {  	s2 =	sadd.s32 s2, s16  }
0x8e: {  	[smem:$0x3FB7] =	sst s2  }
0x8f: {  	_ = 	snop  }
0x90: {  	(tm) =	ssettm $0x1  }
0x91: {  	s17 =	sld [smem:$0x3FFB];
	_ =	sdelay $0x3  }
0x92: {  	_ =	strace s17  }
0x93: {  	s2 =	sld [smem:$0x3FFC];
	_ =	sdelay $0x3  }
0x94: {  	_ =	strace s2  }
0x95: {  	s2 =	sld [smem:$0x3FFD];
	_ =	sdelay $0x3  }
0x96: {  	_ =	strace s2  }
0x97: {  	_ =	strace $0x8FFFFFFF  }
0x98: {  	s18 =	sld [smem:$0x3FDB];
	_ =	sdelay $0x1  }
0x99: {  	s19 =	simm.s32 $_scs_section_size  }
0x9a: {  	s4 =	simm.s32 $_size__tile_overlayer_lowered;
	s5 =	simm.s32 $_tile_overlayer_lowered  }
0x9b: {  	s22 =	simm.s32 $0x1BFF;
	s21 =	sshll.u32 s5, $0x1;
	s2 =	sadd.s32 s19, s18  }
0x9c: {  	s6 =	simm.s32 $0x0;
	s20 =	sshll.u32 s4, $0x1;
	s4 =	sadd.s32 s21, s2  }
0x9d: {  	[timem:s6], [sflag:s22] =	dma.local [hbm:s4], s20  }
0x9e: {  	_ =	swait.ge [sflag:s22], s20  }
0x9f: {  	s3 =	ssub.s32 $0x0, s20;
	[sflag:s22] =	ssyncset.done $0x0  }
0xa0: {  	[sflag:s22] =	ssyncadd.s32 s3;
	_ =	sdelay $0x1  }
0xa1: {  	s23 =	simm.s32 $0x1B8B  }
0xa2: {  	_ =	swait.ge [sflag:s23], $0x1  }
0xa3: {  	[sflag:s23] =	ssyncset.done $0x0  }
0xa4: {  	s25 =	simm.s32 $0x1B8E;
	s24 =	sld [smem:$0x3FFE];
	[sflag:s23] =	ssyncadd.s32 $0xFFFFFFFF  }
0xa5: {  	s26 =	simm.s32 $execute0_lowered;
	[smem:$0x3FD2] =	sst s25  }
0xa6: {  	s4 =	sshll.u32 s26, $0x1;
	_ =	strace $0x80000046;
	[dreg:$0x1] =	wrdreg $0xFFFFFFFF  }
0xa7: {  	s28 =	simm.s32 $_size_execute0_lowered;
	s2 =	sadd.s32 s2, s4;
	[dreg:$0x0] =	wrdreg $0x0  }
0xa8: {  	s4 =	sshll.u32 s28, $0x1;
	[dreg:$0x2] =	wrdreg s2  }
0xa9: {  	[dreg:$0x3] =	wrdreg s4  }
0xaa: {  	[dreg:$0x4] =	wrdreg $0xC0  }
0xab: {  	_ =	task [dreg:s6], $0x5FFFF  }
0xac: {  	[dreg:$0x1] =	wrdreg $0xFFFFFFFF  }
0xad: {  	[dreg:$0x0] =	wrdreg $0x60  }
0xae: {  	[dreg:$0x2] =	wrdreg s24  }
0xaf: {  	[dreg:$0x3] =	wrdreg $0x4C000  }
0xb0: {  	[dreg:$0x4] =	wrdreg $0x9  }
0xb1: {  	_ =	task.clear_ibuf [dreg:s6], $0x5FFFF;
	_ =	strace $0x90000046  }
0xb2: {  	s29 =	simm.s32 $0x9;
	_ =	strace $0x80000048  }
0xb3: {  	_ =	swait.ge [sflag:s29], $0x1  }
0xb4: {  	[sflag:s29] =	ssyncadd.s32 $0xFFFFFFFF  }
0xb5: {  	_ =	strace $0x90000048  }
0xb6: {  	_ =	sfence  }
0xb7: {  	s30 =	sld [smem:$0x0];
	_ =	sdelay $0x2  }
0xb8: {  	s31 =	sshll.u32 s1, $0xD;
	s1 =	sshrl.u32 s1, $0x2  }
0xb9: {  	s3 =	sand.u32 $0x4000, s31;
	s1 =	sadd.s32 s1, s30  }
0xba: {  	s0 =	sor.u32 s3, s0;
	s1 =	sshll.u32 s1, $0x11  }
0xbb: {  	s0 =	sor.u32 s1, s0  }
0xbc: {  	s0 =	sadd.s32 $0x8F2B, s0  }
0xbd: {  	[sflag:s0] =	ssyncadd.remote.s32 $0x1  }
0xbe: {  	_ =	sfence.sel $0xFFFF  }
0xbf: {  	[dreg:$0x0] =	wrdreg $0xFFFFFFFF;
	(pc) =	sbr.abs _section_cstart, $3  }
0xc0: {  	[dreg:$0x1] =	wrdreg $0xFFFFFFFF  }
0xc1: {  	_ =	task.clear_ibuf [dreg:s6], $0x2FFFF;
	_ =	strace $0x9FFFFFFF  }
0xc2: {  	(tm) =	ssettm $0x7FFFFFFF  }
0xc3: {  	_ =	shalt  }
tec
execute0_lowered:
.L_overlay_start_1:
0x0: {  	(tag) =	ssettag $0x1  }
0x1: {  	s5 =	rddreg [dreg:$0x0]  }
0x2: {  	s2 =	rddreg [dreg:$0x1]  }
0x3: {  	s3 =	simm.s32 $0x0;
	s1 =	stileid.u32;
	s7 =	srdreg.scid  }
0x4: {  	s15 =	simm.s32 $0x1400;
	s16 =	simm.s32 $0x100;
	s17 =	simm.s32 $0x2400  }
0x5: {  	s18 =	simm.s32 $0x180;
	s19 =	simm.s32 $0x3400;
	s20 =	simm.s32 $0x1  }
0x6: {  	s21 =	simm.s32 $0x280;
	s22 =	simm.s32 $0x300;
	s23 =	simm.s32 $0x380  }
0x7: {  	s24 =	simm.s32 $0x2;
	s26 =	simm.s32 $0x0;
	s6 =	smul.u32 $0x1900, s1  }
0x8: {  	[smem:$0x7FF] =	sst s3;
	s4 =	sadd.s32 $0x2000, s5;
	s10 =	smul.u32 $0x62000, s1  }
0x9: {  	s8 =	sadd.s32 $0xF6400, s5;
	s11 =	sadd.s32 $0x18A000, s5;
	s13 =	smul.u32 $0x18700, s1  }
0xa: {  	s7 =	sand.u32 $0x1, s7;
	s14 =	sadd.s32 $0x159200, s5;
	_ =	strace $0x80000047  }
0xb: {  	s29 =	ssub.s32 $0x2, s7;
	p0 =	seq.s32 s7, $0x1;
	s9 =	sadd.s32 s6, s5  }
0xc: {  	s12 =	sshrl.u32 s29, $0x1;
	s30 =	sshrl.u32 s10, $0x2;
	s31 =	sshrl.u32 s13, $0x3  }
0xd: {  	s25 =	sadd.s32 s13, s2;
	s11 =	smov.u32 @p0 s14;
	s4 =	smov.u32 @p0 s8  }
0xe: {  	s10 =	simm.s32 $0x4400;
	s13 =	simm.s32 $0x80;
	s14 =	simm.s32 $0x400  }
0xf: {  	s6 =	ssub.s32 s29, s12;
	s5 =	sadd.s32 s30, s2;
	s7 =	sadd.s32 s11, s31  }
0x10: {  	s8 =	sadd.s32 $0x127200, s9;
	s9 =	sadd.s32 $0x140200, s9;
	s11 =	simm.s32 $0x3  }
0x11: {  	v0 =	vimm.f32 $0.0e+00;
	s12 =	simm.s32 $0x200;
	s25 =	sshrl.u32 s25, $0x3;
	s6 =	smax.u32 s6, $0x1  }
.LBB2_1:
0x12: {  	s28 =	simm.s32 $0x0  }
.LBB2_2:
0x13: {  	p0 =	sne.s32 s28, $0x1F80  }
.Ltmp0:
0x14: {  	_ = 	snop;
	(pc) =	sbr.rel @p0 .LBB2_2-.Ltmp0, $4  }
0x15: {  	_ = 	snop  }
0x16: {  	s29 =	sshra.s32 s28, $0x2  }
0x17: {  	[tilespmem:s29+$0x4400] =	vst v0  }
0x18: {  	s28 =	sadd.s32 $0x80, s28;
	[tilespmem:s29+$0x4410] =	vst v0  }
0x19: {  	s28 =	sadd.s32 $0x0, s5  }
0x1a: {  	[spmem:s28] =	stream.linear.scatter [tilespmem:s10], [sflag:$0x3], $0x800, $0x38;
	[tilespmem:$0x1D400] =	vst v63  }
0x1b: {  	s28 =	simm.s32 $0x2000;
	_ =	swait.ge [sflag:s11], $0x800  }
.LBB2_4:
0x1c: {  	s29 =	sshra.s32 s28, $0x2;
	[sflag:s11] =	ssyncset.done $0x0;
	p0 =	sne.s32 s28, $0x60000  }
.Ltmp1:
0x1d: {  	s29 =	sadd.s32 s29, s5;
	[sflag:s11] =	ssyncadd.s32 $0xFFFFF800;
	(pc) =	sbr.rel @p0 .LBB2_4-.Ltmp1, $3  }
0x1e: {  	[spmem:s29] =	stream.linear.scatter [tilespmem:s10], [sflag:$0x3], $0x800, $0x38;
	[tilespmem:$0x1D400] =	vst v63  }
0x1f: {  	s28 =	sadd.s32 $0x2000, s28;
	_ =	sdelay $0x1  }
0x20: {  	_ =	swait.ge [sflag:s11], $0x800  }
0x21: {  	[sflag:s11] =	ssyncset.done $0x0  }
0x22: {  	[sflag:s11] =	ssyncadd.s32 $0xFFFFF800  }
0x23: {  	s28 =	sadd.s32 $0x0, s9;
	[bflag:$0x0] =	sbarrier.arrive $0xFFFF  }
0x24: {  	[tilespmem:s3], [sflag:$0x3] =	stream.linear.gather [hbm4b:s28+s3], $0x200, $0x38;
	[tilespmem:$0x1D400] =	vst v63  }
0x25: {  	_ =	swait.ge [sflag:s11], $0x200  }
0x26: {  	[sflag:s11] =	ssyncset.done $0x0  }
0x27: {  	s28 =	sadd.s32 $0x0, s8;
	[sflag:s11] =	ssyncadd.s32 $0xFFFFFE00  }
0x28: {  	[tilespmem:s12], [sflag:$0x3] =	stream.linear.gather [hbm4b:s28+s3], $0x200, $0x38;
	[tilespmem:$0x1D400] =	vst v63  }
0x29: {  	_ =	swait.ge [sflag:s11], $0x200  }
0x2a: {  	[sflag:s11] =	ssyncset.done $0x0  }
0x2b: {  	[sflag:s11] =	ssyncadd.s32 $0xFFFFFE00  }
0x2c: {  	[tilespmem:s14], [sflag:$0x1] =	stream.indirect.gather [hbm4b:s4+s13], $0x20, s3, s13, $0xb8;
	[tilespmem:$0x1D400] =	vst v63  }
0x2d: {  	_ = 	snop  }
0x2e: {  	[tilespmem:s15], [sflag:$0x1] =	stream.indirect.gather [hbm4b:s4+s13], $0x20, s13, s13, $0xb8;
	[tilespmem:$0x1D400] =	vst v63  }
0x2f: {  	_ = 	snop  }
0x30: {  	[tilespmem:s17], [sflag:$0x1] =	stream.indirect.gather [hbm4b:s4+s13], $0x20, s16, s13, $0xb8;
	[tilespmem:$0x1D400] =	vst v63  }
0x31: {  	_ = 	snop  }
0x32: {  	[tilespmem:s19], [sflag:$0x1] =	stream.indirect.gather [hbm4b:s4+s13], $0x20, s18, s13, $0xb8;
	[tilespmem:$0x1D400] =	vst v63  }
0x33: {  	_ =	swait.ge [sflag:s20], $0x1000  }
0x34: {  	[sflag:s20] =	ssyncset.done $0x0  }
0x35: {  	[sflag:s20] =	ssyncadd.s32 $0xFFFFF000  }
0x36: {  	_ =	swait.ge [sflag:s20], $0x1000  }
0x37: {  	[sflag:s20] =	ssyncset.done $0x0  }
0x38: {  	[sflag:s20] =	ssyncadd.s32 $0xFFFFF000  }
0x39: {  	_ =	swait.ge [sflag:s20], $0x1000  }
0x3a: {  	[sflag:s20] =	ssyncset.done $0x0  }
0x3b: {  	[sflag:s20] =	ssyncadd.s32 $0xFFFFF000  }
0x3c: {  	_ =	swait.ge [sflag:s20], $0x1000  }
0x3d: {  	[sflag:s20] =	ssyncset.done $0x0  }
0x3e: {  	[sflag:s20] =	ssyncadd.s32 $0xFFFFF000  }
0x3f: {  	[spmem:s2] =	stream.indirect.scatter.add.f32 [tilespmem:s14], [sflag:$0x2], $0x20, s12, s13, $0xb8;
	[tilespmem:$0x1D400] =	vst v63  }
0x40: {  	_ = 	snop  }
0x41: {  	[spmem:s2] =	stream.indirect.scatter.add.f32 [tilespmem:s15], [sflag:$0x2], $0x20, s21, s13, $0xb8;
	[tilespmem:$0x1D400] =	vst v63  }
0x42: {  	_ = 	snop  }
0x43: {  	[spmem:s2] =	stream.indirect.scatter.add.f32 [tilespmem:s17], [sflag:$0x2], $0x20, s22, s13, $0xb8;
	[tilespmem:$0x1D400] =	vst v63  }
0x44: {  	_ = 	snop  }
0x45: {  	[spmem:s2] =	stream.indirect.scatter.add.f32 [tilespmem:s19], [sflag:$0x2], $0x20, s23, s13, $0xb8;
	[tilespmem:$0x1D400] =	vst v63  }
0x46: {  	_ =	swait.ge [sflag:s24], $0x1000  }
0x47: {  	[sflag:s24] =	ssyncset.done $0x0  }
0x48: {  	[sflag:s24] =	ssyncadd.s32 $0xFFFFF000  }
0x49: {  	_ =	swait.ge [sflag:s24], $0x1000  }
0x4a: {  	[sflag:s24] =	ssyncset.done $0x0  }
0x4b: {  	[sflag:s24] =	ssyncadd.s32 $0xFFFFF000  }
0x4c: {  	_ =	swait.ge [sflag:s24], $0x1000  }
0x4d: {  	[sflag:s24] =	ssyncset.done $0x0  }
0x4e: {  	[sflag:s24] =	ssyncadd.s32 $0xFFFFF000  }
0x4f: {  	_ =	swait.ge [sflag:s24], $0x1000  }
0x50: {  	s30 =	simm.s32 $0x80;
	s28 =	simm.s32 $0x40;
	[sflag:s24] =	ssyncset.done $0x0  }
.LBB2_6:
0x51: {  	s31 =	sadd.s32 s28, s9  }
0x52: {  	[sflag:s24] =	ssyncadd.s32 $0xFFFFF000;
	s0 =	smov.u32 s30;
	s29 =	sadd.s32 $0x40, s30  }
0x53: {  	[tilespmem:s3], [sflag:$0x3] =	stream.linear.gather [hbm4b:s31+s3], $0x200, $0x38;
	[tilespmem:$0x1D400] =	vst v63  }
0x54: {  	p0 =	sne.s32 s30, $0x18C0;
	_ =	swait.ge [sflag:s11], $0x200  }
0x55: {  	[sflag:s11] =	ssyncset.done $0x0  }
0x56: {  	s30 =	sadd.s32 s28, s8;
	s28 =	smov.u32 s0;
	[sflag:s11] =	ssyncadd.s32 $0xFFFFFE00  }
0x57: {  	[tilespmem:s12], [sflag:$0x3] =	stream.linear.gather [hbm4b:s30+s3], $0x200, $0x38;
	[tilespmem:$0x1D400] =	vst v63  }
0x58: {  	_ =	swait.ge [sflag:s11], $0x200  }
0x59: {  	[sflag:s11] =	ssyncset.done $0x0  }
0x5a: {  	[sflag:s11] =	ssyncadd.s32 $0xFFFFFE00  }
0x5b: {  	[tilespmem:s14], [sflag:$0x1] =	stream.indirect.gather [hbm4b:s4+s13], $0x20, s3, s13, $0xb8;
	[tilespmem:$0x1D400] =	vst v63  }
0x5c: {  	_ = 	snop  }
0x5d: {  	[tilespmem:s15], [sflag:$0x1] =	stream.indirect.gather [hbm4b:s4+s13], $0x20, s13, s13, $0xb8;
	[tilespmem:$0x1D400] =	vst v63  }
0x5e: {  	_ = 	snop  }
0x5f: {  	[tilespmem:s17], [sflag:$0x1] =	stream.indirect.gather [hbm4b:s4+s13], $0x20, s16, s13, $0xb8;
	[tilespmem:$0x1D400] =	vst v63  }
0x60: {  	_ = 	snop  }
0x61: {  	[tilespmem:s19], [sflag:$0x1] =	stream.indirect.gather [hbm4b:s4+s13], $0x20, s18, s13, $0xb8;
	[tilespmem:$0x1D400] =	vst v63  }
0x62: {  	_ =	swait.ge [sflag:s20], $0x1000  }
0x63: {  	[sflag:s20] =	ssyncset.done $0x0  }
0x64: {  	[sflag:s20] =	ssyncadd.s32 $0xFFFFF000  }
0x65: {  	_ =	swait.ge [sflag:s20], $0x1000  }
0x66: {  	[sflag:s20] =	ssyncset.done $0x0  }
0x67: {  	[sflag:s20] =	ssyncadd.s32 $0xFFFFF000  }
0x68: {  	_ =	swait.ge [sflag:s20], $0x1000  }
0x69: {  	[sflag:s20] =	ssyncset.done $0x0  }
0x6a: {  	[sflag:s20] =	ssyncadd.s32 $0xFFFFF000  }
0x6b: {  	_ =	swait.ge [sflag:s20], $0x1000  }
0x6c: {  	[sflag:s20] =	ssyncset.done $0x0  }
0x6d: {  	[sflag:s20] =	ssyncadd.s32 $0xFFFFF000  }
0x6e: {  	[spmem:s2] =	stream.indirect.scatter.add.f32 [tilespmem:s14], [sflag:$0x2], $0x20, s12, s13, $0xb8;
	[tilespmem:$0x1D400] =	vst v63  }
0x6f: {  	_ = 	snop  }
0x70: {  	[spmem:s2] =	stream.indirect.scatter.add.f32 [tilespmem:s15], [sflag:$0x2], $0x20, s21, s13, $0xb8;
	[tilespmem:$0x1D400] =	vst v63  }
0x71: {  	_ = 	snop  }
0x72: {  	[spmem:s2] =	stream.indirect.scatter.add.f32 [tilespmem:s17], [sflag:$0x2], $0x20, s22, s13, $0xb8;
	[tilespmem:$0x1D400] =	vst v63  }
0x73: {  	_ = 	snop  }
0x74: {  	[spmem:s2] =	stream.indirect.scatter.add.f32 [tilespmem:s19], [sflag:$0x2], $0x20, s23, s13, $0xb8;
	[tilespmem:$0x1D400] =	vst v63  }
0x75: {  	_ =	swait.ge [sflag:s24], $0x1000  }
0x76: {  	[sflag:s24] =	ssyncset.done $0x0  }
0x77: {  	[sflag:s24] =	ssyncadd.s32 $0xFFFFF000  }
0x78: {  	_ =	swait.ge [sflag:s24], $0x1000  }
0x79: {  	[sflag:s24] =	ssyncset.done $0x0  }
0x7a: {  	[sflag:s24] =	ssyncadd.s32 $0xFFFFF000  }
.Ltmp2:
0x7b: {  	_ =	swait.ge [sflag:s24], $0x1000;
	(pc) =	sbr.rel @p0 .LBB2_6-.Ltmp2, $4  }
0x7c: {  	[sflag:s24] =	ssyncset.done $0x0  }
0x7d: {  	[sflag:s24] =	ssyncadd.s32 $0xFFFFF000  }
0x7e: {  	_ =	swait.ge [sflag:s24], $0x1000  }
0x7f: {  	s30 =	smov.u32 s29;
	[sflag:s24] =	ssyncset.done $0x0  }
0x80: {  	s0 =	sadd.s32 s28, s9;
	[sflag:s24] =	ssyncadd.s32 $0xFFFFF000  }
0x81: {  	[tilespmem:s3], [sflag:$0x3] =	stream.linear.gather [hbm4b:s0+s3], $0x200, $0x38;
	[tilespmem:$0x1D400] =	vst v63  }
0x82: {  	_ =	swait.ge [sflag:s11], $0x200  }
0x83: {  	[sflag:s11] =	ssyncset.done $0x0  }
0x84: {  	s30 =	sadd.s32 s28, s8;
	[sflag:s11] =	ssyncadd.s32 $0xFFFFFE00  }
0x85: {  	[tilespmem:s12], [sflag:$0x3] =	stream.linear.gather [hbm4b:s30+s3], $0x200, $0x38;
	[tilespmem:$0x1D400] =	vst v63  }
0x86: {  	_ =	swait.ge [sflag:s11], $0x200  }
0x87: {  	[sflag:s11] =	ssyncset.done $0x0  }
0x88: {  	[sflag:s11] =	ssyncadd.s32 $0xFFFFFE00  }
0x89: {  	[tilespmem:s14], [sflag:$0x1] =	stream.indirect.gather [hbm4b:s4+s13], $0x20, s3, s13, $0xb8;
	[tilespmem:$0x1D400] =	vst v63  }
0x8a: {  	_ = 	snop  }
0x8b: {  	[tilespmem:s15], [sflag:$0x1] =	stream.indirect.gather [hbm4b:s4+s13], $0x20, s13, s13, $0xb8;
	[tilespmem:$0x1D400] =	vst v63  }
0x8c: {  	_ = 	snop  }
0x8d: {  	[tilespmem:s17], [sflag:$0x1] =	stream.indirect.gather [hbm4b:s4+s13], $0x20, s16, s13, $0xb8;
	[tilespmem:$0x1D400] =	vst v63  }
0x8e: {  	_ = 	snop  }
0x8f: {  	[tilespmem:s19], [sflag:$0x1] =	stream.indirect.gather [hbm4b:s4+s13], $0x20, s18, s13, $0xb8;
	[tilespmem:$0x1D400] =	vst v63  }
0x90: {  	_ =	swait.ge [sflag:s20], $0x1000  }
0x91: {  	[sflag:s20] =	ssyncset.done $0x0  }
0x92: {  	[sflag:s20] =	ssyncadd.s32 $0xFFFFF000  }
0x93: {  	_ =	swait.ge [sflag:s20], $0x1000  }
0x94: {  	[sflag:s20] =	ssyncset.done $0x0  }
0x95: {  	[sflag:s20] =	ssyncadd.s32 $0xFFFFF000  }
0x96: {  	_ =	swait.ge [sflag:s20], $0x1000  }
0x97: {  	[sflag:s20] =	ssyncset.done $0x0  }
0x98: {  	[sflag:s20] =	ssyncadd.s32 $0xFFFFF000  }
0x99: {  	_ =	swait.ge [sflag:s20], $0x1000  }
0x9a: {  	[sflag:s20] =	ssyncset.done $0x0  }
0x9b: {  	[sflag:s20] =	ssyncadd.s32 $0xFFFFF000  }
0x9c: {  	[spmem:s2] =	stream.indirect.scatter.add.f32 [tilespmem:s14], [sflag:$0x2], $0x20, s12, s13, $0xb8;
	[tilespmem:$0x1D400] =	vst v63  }
0x9d: {  	_ = 	snop  }
0x9e: {  	[spmem:s2] =	stream.indirect.scatter.add.f32 [tilespmem:s15], [sflag:$0x2], $0x20, s21, s13, $0xb8;
	[tilespmem:$0x1D400] =	vst v63  }
0x9f: {  	_ = 	snop  }
0xa0: {  	[spmem:s2] =	stream.indirect.scatter.add.f32 [tilespmem:s17], [sflag:$0x2], $0x20, s22, s13, $0xb8;
	[tilespmem:$0x1D400] =	vst v63  }
0xa1: {  	_ = 	snop  }
0xa2: {  	[spmem:s2] =	stream.indirect.scatter.add.f32 [tilespmem:s19], [sflag:$0x2], $0x20, s23, s13, $0xb8;
	[tilespmem:$0x1D400] =	vst v63  }
0xa3: {  	_ =	swait.ge [sflag:s24], $0x1000  }
0xa4: {  	[sflag:s24] =	ssyncset.done $0x0  }
0xa5: {  	[sflag:s24] =	ssyncadd.s32 $0xFFFFF000  }
0xa6: {  	_ =	swait.ge [sflag:s24], $0x1000  }
0xa7: {  	[sflag:s24] =	ssyncset.done $0x0  }
0xa8: {  	[sflag:s24] =	ssyncadd.s32 $0xFFFFF000  }
0xa9: {  	_ =	swait.ge [sflag:s24], $0x1000  }
0xaa: {  	[sflag:s24] =	ssyncset.done $0x0  }
0xab: {  	[sflag:s24] =	ssyncadd.s32 $0xFFFFF000  }
0xac: {  	_ =	swait.ge [sflag:s24], $0x1000  }
0xad: {  	s26 =	sadd.s32 $0x1, s26;
	[sflag:s24] =	ssyncset.done $0x0  }
0xae: {  	s31 =	sshll.u32 s1, $0x6;
	p0 =	sne.s32 s26, s6;
	[sflag:s24] =	ssyncadd.s32 $0xFFFFF000  }
.Ltmp3:
0xaf: {  	s0 =	sor.u32 $0x1C03, s31;
	[bflag:$0x0] =	sbarrier.arrive $0xFFFF;
	(pc) =	sbr.rel @p0 .LBB2_1-.Ltmp3, $4  }
0xb0: {  	[hbm:s7], [sflag:s0] =	dma.local [spmem:s25], $0x30E0  }
0xb1: {  	_ =	swait.ge [sflag:s11], $0x30E0  }
0xb2: {  	[sflag:s11] =	ssyncset.done $0x0  }
0xb3: {  	[sflag:s11] =	ssyncadd.s32 $0xFFFFCF20  }
0xb4: {  	_ =	sfence.sel $0x180000  }
0xb5: {  	[bflag:$0x0] =	sbarrier.arrive $0xFFFF  }
0xb6: {  	_ =	strace $0x90000047  }
0xb7: {  	[bflag:$0x2] =	sbarrier.arrive $0xFFFF  }
0xb8: {  	p0 =	sne.s32 s1, $0x0;
	s0 =	rddreg [dreg:$0x2]  }
0xb9: {  	s0 =	sadd.s32 @!p0 $0x100000, s0  }
0xba: {  	[sflag:s0] =	ssyncadd.tile.s32 @!p0 $0x1;
	_ =	shalt  }
.Lfunc_end2:
_tile_overlayer_lowered:
.L_overlay_start_2:
0xbb: {  	(tag) =	ssettag $0x2  }
0xbc: {  	s0 =	rddreg [dreg:$0x0];
	s2 =	stileid.u32  }
0xbd: {  	s1 =	rddreg [dreg:$0x1];
	p0 =	sne.s32 s2, $0x0  }
0xbe: {  	s3 =	rddreg [dreg:$0x2];
	[bflag:$0x3] =	sbarrier.arrive $0xFFFF;
	s2 =	simm.s32 @!p0 $0x1C03  }
0xbf: {  	[timem:s3], [sflag:s2] =	dma.local @!p0 [hbm:s0], s1  }
0xc0: {  	s0 =	simm.s32 @!p0 $0x3  }
0xc1: {  	_ =	swait.ge @!p0 [sflag:s0], s1  }
0xc2: {  	s1 =	ssub.s32 @!p0 $0x0, s1;
	[sflag:s0] =	ssyncset.done @!p0 $0x0  }
0xc3: {  	[sflag:s0] =	ssyncadd.s32 @!p0 s1  }
0xc4: {  	[bflag:$0x3] =	sbarrier.arrive $0xFFFF  }
0xc5: {  	_ =	shalt  }

</sc_bundles>
